<compile_context>
chip_gen: v7x
topology: tpu7x:2x2x1
jax: 0.10.2.dev20260603
libtpu: 0.0.44.dev20260713+nightly
codegen_flags: <defaults>
</compile_context>

<pallas_src>
import functools

import jax
import jax.numpy as jnp
from jax import lax
from jax.experimental import pallas as pl
from jax.experimental.pallas import tpu as pltpu
from jax.experimental.pallas import tpu_sc as plsc

NUM_CORES = 2
NUM_SUBCORES = 16
NUM_WORKERS = NUM_CORES * NUM_SUBCORES
LANES = 16


@jax.jit
def _sc_gather_t(idx_t, table):
    hist, batch = idx_t.shape
    vocab, d = table.shape
    assert d == 64 and batch % (NUM_WORKERS * 256) == 0
    bpw = batch // NUM_WORKERS
    halves = bpw // 256
    n_units = hist * halves
    tb_total = batch // 128

    mesh = plsc.VectorSubcoreMesh(
        core_axis_name="c",
        subcore_axis_name="s",
        num_cores=NUM_CORES,
        num_subcores=NUM_SUBCORES,
    )

    @functools.partial(
        pl.kernel,
        out_type=jax.ShapeDtypeStruct((hist, 8, tb_total, 8, 128), jnp.float32),
        mesh=mesh,
        scratch_types=[
            pltpu.VMEM((256,), jnp.int32),
            pltpu.VMEM((256,), jnp.int32),
            pltpu.VMEM((256, 64), jnp.float32),
            pltpu.VMEM((256, 64), jnp.float32),
            pltpu.VMEM((8, 2, 8, 128), jnp.float32),
            pltpu.VMEM((8, 2, 8, 128), jnp.float32),
            pltpu.SemaphoreType.DMA,
            pltpu.SemaphoreType.DMA,
            pltpu.SemaphoreType.DMA,
            pltpu.SemaphoreType.DMA,
            pltpu.SemaphoreType.DMA,
            pltpu.SemaphoreType.DMA,
        ],
        compiler_params=pltpu.CompilerParams(
            use_tc_tiling_on_sc=False, needs_layout_passes=False),
    )
    def k(idx_hbm, table_hbm, out_hbm, idx_v0, idx_v1, rows_v0, rows_v1,
          tr_v0, tr_v1, idx_sem0, idx_sem1, gat_sem0, gat_sem1,
          out_sem0, out_sem1):
        wid = lax.axis_index("s") * NUM_CORES + lax.axis_index("c")
        b_base = wid * bpw

        idx_v = (idx_v0, idx_v1)
        rows_v = (rows_v0, rows_v1)
        tr_v = (tr_v0, tr_v1)
        idx_sem = (idx_sem0, idx_sem1)
        gat_sem = (gat_sem0, gat_sem1)
        out_sem = (out_sem0, out_sem1)

        def unit_hb(u):
            h = u // halves
            b0 = b_base + (u % halves) * 256
            return h, b0

        def start_idx(u, s):
            h, b0 = unit_hb(u)
            pltpu.async_copy(idx_hbm.at[h, pl.ds(b0, 256)], idx_v[s], idx_sem[s])

        def wait_idx(s):
            pltpu.make_async_copy(
                idx_hbm.at[0, pl.ds(0, 256)], idx_v[s], idx_sem[s]).wait()

        def start_gather(s):
            pltpu.async_copy(table_hbm.at[idx_v[s]], rows_v[s], gat_sem[s])

        def wait_gather(s):
            pltpu.make_async_copy(
                table_hbm.at[idx_v[s]], rows_v[s], gat_sem[s]).wait()

        def start_store(u, s):
            h, b0 = unit_hb(u)
            tbq = (b0 - b_base) // 128 + wid * (bpw // 128)
            pltpu.async_copy(
                tr_v[s], out_hbm.at[h, :, pl.ds(tbq, 2), :, :], out_sem[s])

        def wait_store(s):
            pltpu.make_async_copy(
                tr_v[s], out_hbm.at[0, :, pl.ds(0, 2), :, :], out_sem[s]).wait()

        iota = lax.iota(jnp.int32, LANES)
        lvecs = [iota + 16 * lb for lb in range(8)]
        rvecs = [[iota + 16 * lb + 128 * tj for lb in range(8)]
                 for tj in range(2)]
        tjcs = [jnp.full((LANES,), tj, jnp.int32) for tj in range(2)]

        def transpose(s):
            rows = rows_v[s]
            dst = tr_v[s]

            def group(u):
                cb = u // 16
                c0 = u - cb * 16
                col = lax.bitwise_and(iota + c0, 15) + cb * 16
                trv = lax.shift_right_logical(col, 3)
                sbv = lax.bitwise_and(col, 7)
                vals = []
                for tj in range(2):
                    for lb in range(8):
                        vals.append(
                            plsc.load_gather(rows, [rvecs[tj][lb], col]))
                for tj in range(2):
                    for lb in range(8):
                        plsc.store_scatter(
                            dst, [trv, tjcs[tj], sbv, lvecs[lb]],
                            vals[tj * 8 + lb])

            pl.loop(0, 64)(group)

        start_idx(0, 0)
        start_idx(1, 1)
        wait_idx(0)
        start_gather(0)

        def unit_body(u, s):
            o = 1 - s
            wait_gather(s)
            pl.when(u + 2 < n_units)(lambda: start_idx(u + 2, s))
            def launch_next():
                wait_idx(o)
                start_gather(o)
            pl.when(u + 1 < n_units)(launch_next)
            pl.when(u >= 2)(lambda: wait_store(s))
            transpose(s)
            start_store(u, s)

        def outer(i):
            unit_body(i * 2, 0)
            unit_body(i * 2 + 1, 1)

        pl.loop(0, n_units // 2)(outer)

        wait_store(0)
        wait_store(1)

    return k(idx_t, table)


def kernel(idxs, entity_embeds):
    batch, hist = idxs.shape
    d = entity_embeds.shape[1]
    out_t = _sc_gather_t(idxs.T, entity_embeds)
    return out_t.transpose(2, 4, 0, 1, 3).reshape(batch, hist, d)

# --- scband reference (transcript-rebuilt; emitter-appended) ---
"""Pipeline reference for scband-py-picross-walk-47811575939769 (READ-ONLY COPY).

The authoritative reference and input builder live on the scoring server;
editing this copy changes nothing except your own understanding.
"""

import jax, jax.numpy as jnp
import numpy as np

VOCAB = 1000000
EMBED_LEN = 64
BATCH = 16384
HIST = 200

def setup_inputs(seed: int = 0) -> dict:
    key = jax.random.key(seed)
    k1, k2 = jax.random.split(key)
    idxs = jax.random.randint(k1, (BATCH, HIST), 0, VOCAB, dtype=jnp.int64 if jax.config.jax_enable_x64 else jnp.int32).astype(jnp.int32)
    entity_embeds = jax.random.normal(k2, (VOCAB, EMBED_LEN), dtype=jnp.float32)
    return {"idxs": idxs, "entity_embeds": entity_embeds}

def reference(idxs, entity_embeds):
    # Faithful translation of PyPICrossWalk.get_global_embeds:
    #   return self.entity_embeds(idxs)  -> embedding table gather
    return jnp.take(entity_embeds, idxs, axis=0)

if __name__ == "__main__":
    import jax
    _d = setup_inputs()
    print(jax.jit(kernel)(*tuple(_d.values())))

</pallas_src>

<mosaic_0001>
#map = affine_map<(d0, d1) -> (0, 0)>
#map1 = affine_map<(d0, d1) -> (0, 0, 0, 0, 0)>
module attributes {stable_mosaic.version = 14 : i64} {
  func.func @k(%arg0: i32, %arg1: i32, %arg2: memref<200x16384xi32, #tpu.memory_space<hbm>>, %arg3: memref<1000000x64xf32, #tpu.memory_space<hbm>>, %arg4: memref<200x8x128x8x128xf32, #tpu.memory_space<hbm>>, %arg5: memref<256xi32, #tpu.memory_space<vmem>>, %arg6: memref<256xi32, #tpu.memory_space<vmem>>, %arg7: memref<256x64xf32, #tpu.memory_space<vmem>>, %arg8: memref<256x64xf32, #tpu.memory_space<vmem>>, %arg9: memref<8x2x8x128xf32, #tpu.memory_space<vmem>>, %arg10: memref<8x2x8x128xf32, #tpu.memory_space<vmem>>, %arg11: memref<!tpu.dma_semaphore, #tpu.memory_space<semaphore_mem>>, %arg12: memref<!tpu.dma_semaphore, #tpu.memory_space<semaphore_mem>>, %arg13: memref<!tpu.dma_semaphore, #tpu.memory_space<semaphore_mem>>, %arg14: memref<!tpu.dma_semaphore, #tpu.memory_space<semaphore_mem>>, %arg15: memref<!tpu.dma_semaphore, #tpu.memory_space<semaphore_mem>>, %arg16: memref<!tpu.dma_semaphore, #tpu.memory_space<semaphore_mem>>) attributes {dimension_semantics = [#tpu.dimension_semantics<core_parallel>, #tpu.dimension_semantics<subcore_parallel>], iteration_bounds = array<i64: 2, 16>, scalar_prefetch = 0 : i64, scratch_operands = 12 : i64, tpu.core_type = #tpu.core_type<sc_vector_subcore>, window_params = [{transform_indices = #map}, {transform_indices = #map}, {transform_indices = #map1}]} {
    %mul3A = arith.constant 2 : i32
    %mul3A_0 = arith.muli %arg1, %mul3A : i32
    %add3A = arith.addi %mul3A_0, %arg0 : i32
    %mul3A_1 = arith.constant 512 : i32
    %mul3A_2 = arith.muli %add3A, %mul3A_1 : i32
    %iota3A = tpu.iota {dimensions = array<i32: 0>} : vector<16xi32>
    %add3A_3 = arith.constant 0 : i32
    %add3A_4 = vector.broadcast %add3A_3 : i32 to vector<16xi32>
    %add3A_5 = arith.addi %iota3A, %add3A_4 : vector<16xi32>
    %add3A_6 = arith.constant 16 : i32
    %add3A_7 = vector.broadcast %add3A_6 : i32 to vector<16xi32>
    %add3A_8 = arith.addi %iota3A, %add3A_7 : vector<16xi32>
    %add3A_9 = arith.constant 32 : i32
    %add3A_10 = vector.broadcast %add3A_9 : i32 to vector<16xi32>
    %add3A_11 = arith.addi %iota3A, %add3A_10 : vector<16xi32>
    %add3A_12 = arith.constant 48 : i32
    %add3A_13 = vector.broadcast %add3A_12 : i32 to vector<16xi32>
    %add3A_14 = arith.addi %iota3A, %add3A_13 : vector<16xi32>
    %add3A_15 = arith.constant 64 : i32
    %add3A_16 = vector.broadcast %add3A_15 : i32 to vector<16xi32>
    %add3A_17 = arith.addi %iota3A, %add3A_16 : vector<16xi32>
    %add3A_18 = arith.constant 80 : i32
    %add3A_19 = vector.broadcast %add3A_18 : i32 to vector<16xi32>
    %add3A_20 = arith.addi %iota3A, %add3A_19 : vector<16xi32>
    %add3A_21 = arith.constant 96 : i32
    %add3A_22 = vector.broadcast %add3A_21 : i32 to vector<16xi32>
    %add3A_23 = arith.addi %iota3A, %add3A_22 : vector<16xi32>
    %add3A_24 = arith.constant 112 : i32
    %add3A_25 = vector.broadcast %add3A_24 : i32 to vector<16xi32>
    %add3A_26 = arith.addi %iota3A, %add3A_25 : vector<16xi32>
    %add3A_27 = arith.constant 0 : i32
    %add3A_28 = vector.broadcast %add3A_27 : i32 to vector<16xi32>
    %add3A_29 = arith.addi %iota3A, %add3A_28 : vector<16xi32>
    %add3A_30 = arith.constant 0 : i32
    %add3A_31 = vector.broadcast %add3A_30 : i32 to vector<16xi32>
    %add3A_32 = arith.addi %add3A_29, %add3A_31 : vector<16xi32>
    %add3A_33 = arith.constant 16 : i32
    %add3A_34 = vector.broadcast %add3A_33 : i32 to vector<16xi32>
    %add3A_35 = arith.addi %iota3A, %add3A_34 : vector<16xi32>
    %add3A_36 = arith.constant 0 : i32
    %add3A_37 = vector.broadcast %add3A_36 : i32 to vector<16xi32>
    %add3A_38 = arith.addi %add3A_35, %add3A_37 : vector<16xi32>
    %add3A_39 = arith.constant 32 : i32
    %add3A_40 = vector.broadcast %add3A_39 : i32 to vector<16xi32>
    %add3A_41 = arith.addi %iota3A, %add3A_40 : vector<16xi32>
    %add3A_42 = arith.constant 0 : i32
    %add3A_43 = vector.broadcast %add3A_42 : i32 to vector<16xi32>
    %add3A_44 = arith.addi %add3A_41, %add3A_43 : vector<16xi32>
    %add3A_45 = arith.constant 48 : i32
    %add3A_46 = vector.broadcast %add3A_45 : i32 to vector<16xi32>
    %add3A_47 = arith.addi %iota3A, %add3A_46 : vector<16xi32>
    %add3A_48 = arith.constant 0 : i32
    %add3A_49 = vector.broadcast %add3A_48 : i32 to vector<16xi32>
    %add3A_50 = arith.addi %add3A_47, %add3A_49 : vector<16xi32>
    %add3A_51 = arith.constant 64 : i32
    %add3A_52 = vector.broadcast %add3A_51 : i32 to vector<16xi32>
    %add3A_53 = arith.addi %iota3A, %add3A_52 : vector<16xi32>
    %add3A_54 = arith.constant 0 : i32
    %add3A_55 = vector.broadcast %add3A_54 : i32 to vector<16xi32>
    %add3A_56 = arith.addi %add3A_53, %add3A_55 : vector<16xi32>
    %add3A_57 = arith.constant 80 : i32
    %add3A_58 = vector.broadcast %add3A_57 : i32 to vector<16xi32>
    %add3A_59 = arith.addi %iota3A, %add3A_58 : vector<16xi32>
    %add3A_60 = arith.constant 0 : i32
    %add3A_61 = vector.broadcast %add3A_60 : i32 to vector<16xi32>
    %add3A_62 = arith.addi %add3A_59, %add3A_61 : vector<16xi32>
    %add3A_63 = arith.constant 96 : i32
    %add3A_64 = vector.broadcast %add3A_63 : i32 to vector<16xi32>
    %add3A_65 = arith.addi %iota3A, %add3A_64 : vector<16xi32>
    %add3A_66 = arith.constant 0 : i32
    %add3A_67 = vector.broadcast %add3A_66 : i32 to vector<16xi32>
    %add3A_68 = arith.addi %add3A_65, %add3A_67 : vector<16xi32>
    %add3A_69 = arith.constant 112 : i32
    %add3A_70 = vector.broadcast %add3A_69 : i32 to vector<16xi32>
    %add3A_71 = arith.addi %iota3A, %add3A_70 : vector<16xi32>
    %add3A_72 = arith.constant 0 : i32
    %add3A_73 = vector.broadcast %add3A_72 : i32 to vector<16xi32>
    %add3A_74 = arith.addi %add3A_71, %add3A_73 : vector<16xi32>
    %add3A_75 = arith.constant 0 : i32
    %add3A_76 = vector.broadcast %add3A_75 : i32 to vector<16xi32>
    %add3A_77 = arith.addi %iota3A, %add3A_76 : vector<16xi32>
    %add3A_78 = arith.constant 128 : i32
    %add3A_79 = vector.broadcast %add3A_78 : i32 to vector<16xi32>
    %add3A_80 = arith.addi %add3A_77, %add3A_79 : vector<16xi32>
    %add3A_81 = arith.constant 16 : i32
    %add3A_82 = vector.broadcast %add3A_81 : i32 to vector<16xi32>
    %add3A_83 = arith.addi %iota3A, %add3A_82 : vector<16xi32>
    %add3A_84 = arith.constant 128 : i32
    %add3A_85 = vector.broadcast %add3A_84 : i32 to vector<16xi32>
    %add3A_86 = arith.addi %add3A_83, %add3A_85 : vector<16xi32>
    %add3A_87 = arith.constant 32 : i32
    %add3A_88 = vector.broadcast %add3A_87 : i32 to vector<16xi32>
    %add3A_89 = arith.addi %iota3A, %add3A_88 : vector<16xi32>
    %add3A_90 = arith.constant 128 : i32
    %add3A_91 = vector.broadcast %add3A_90 : i32 to vector<16xi32>
    %add3A_92 = arith.addi %add3A_89, %add3A_91 : vector<16xi32>
    %add3A_93 = arith.constant 48 : i32
    %add3A_94 = vector.broadcast %add3A_93 : i32 to vector<16xi32>
    %add3A_95 = arith.addi %iota3A, %add3A_94 : vector<16xi32>
    %add3A_96 = arith.constant 128 : i32
    %add3A_97 = vector.broadcast %add3A_96 : i32 to vector<16xi32>
    %add3A_98 = arith.addi %add3A_95, %add3A_97 : vector<16xi32>
    %add3A_99 = arith.constant 64 : i32
    %add3A_100 = vector.broadcast %add3A_99 : i32 to vector<16xi32>
    %add3A_101 = arith.addi %iota3A, %add3A_100 : vector<16xi32>
    %add3A_102 = arith.constant 128 : i32
    %add3A_103 = vector.broadcast %add3A_102 : i32 to vector<16xi32>
    %add3A_104 = arith.addi %add3A_101, %add3A_103 : vector<16xi32>
    %add3A_105 = arith.constant 80 : i32
    %add3A_106 = vector.broadcast %add3A_105 : i32 to vector<16xi32>
    %add3A_107 = arith.addi %iota3A, %add3A_106 : vector<16xi32>
    %add3A_108 = arith.constant 128 : i32
    %add3A_109 = vector.broadcast %add3A_108 : i32 to vector<16xi32>
    %add3A_110 = arith.addi %add3A_107, %add3A_109 : vector<16xi32>
    %add3A_111 = arith.constant 96 : i32
    %add3A_112 = vector.broadcast %add3A_111 : i32 to vector<16xi32>
    %add3A_113 = arith.addi %iota3A, %add3A_112 : vector<16xi32>
    %add3A_114 = arith.constant 128 : i32
    %add3A_115 = vector.broadcast %add3A_114 : i32 to vector<16xi32>
    %add3A_116 = arith.addi %add3A_113, %add3A_115 : vector<16xi32>
    %add3A_117 = arith.constant 112 : i32
    %add3A_118 = vector.broadcast %add3A_117 : i32 to vector<16xi32>
    %add3A_119 = arith.addi %iota3A, %add3A_118 : vector<16xi32>
    %add3A_120 = arith.constant 128 : i32
    %add3A_121 = vector.broadcast %add3A_120 : i32 to vector<16xi32>
    %add3A_122 = arith.addi %add3A_119, %add3A_121 : vector<16xi32>
    %broadcast_in_dim3A = arith.constant 0 : i32
    %broadcast_in_dim3A_123 = vector.broadcast %broadcast_in_dim3A : i32 to vector<16xi32>
    %broadcast_in_dim3A_124 = arith.constant 1 : i32
    %broadcast_in_dim3A_125 = vector.broadcast %broadcast_in_dim3A_124 : i32 to vector<16xi32>
    %add3A_126 = arith.constant 0 : i32
    %add3A_127 = arith.addi %mul3A_2, %add3A_126 : i32
    %dma_start3A = arith.constant 0 : i32
    %dma_start3A_128 = tpu.memref_slice %arg2[%dma_start3A, %add3A_127] : memref<200x16384xi32, #tpu.memory_space<hbm>> -> memref<1x256xi32, #tpu.memory_space<hbm>>
    %dma_start3A_129 = tpu.memref_squeeze %dma_start3A_128 : memref<1x256xi32, #tpu.memory_space<hbm>> -> memref<256xi32, #tpu.memory_space<hbm>>
    %dma_start3A_130 = tpu.memref_slice %arg2[%dma_start3A, %add3A_127] : memref<200x16384xi32, #tpu.memory_space<hbm>> -> memref<1x256xi32, #tpu.memory_space<hbm>>
    %dma_start3A_131 = tpu.memref_squeeze %dma_start3A_130 : memref<1x256xi32, #tpu.memory_space<hbm>> -> memref<256xi32, #tpu.memory_space<hbm>>
    tpu.enqueue_dma source(%dma_start3A_131 : memref<256xi32, #tpu.memory_space<hbm>>) target(%arg5 : memref<256xi32, #tpu.memory_space<vmem>>) target_semaphore(%arg11 : memref<!tpu.dma_semaphore, #tpu.memory_space<semaphore_mem>>)
    %add3A_132 = arith.constant 256 : i32
    %add3A_133 = arith.addi %mul3A_2, %add3A_132 : i32
    %dma_start3A_134 = arith.constant 0 : i32
    %dma_start3A_135 = tpu.memref_slice %arg2[%dma_start3A_134, %add3A_133] : memref<200x16384xi32, #tpu.memory_space<hbm>> -> memref<1x256xi32, #tpu.memory_space<hbm>>
    %dma_start3A_136 = tpu.memref_squeeze %dma_start3A_135 : memref<1x256xi32, #tpu.memory_space<hbm>> -> memref<256xi32, #tpu.memory_space<hbm>>
    %dma_start3A_137 = tpu.memref_slice %arg2[%dma_start3A_134, %add3A_133] : memref<200x16384xi32, #tpu.memory_space<hbm>> -> memref<1x256xi32, #tpu.memory_space<hbm>>
    %dma_start3A_138 = tpu.memref_squeeze %dma_start3A_137 : memref<1x256xi32, #tpu.memory_space<hbm>> -> memref<256xi32, #tpu.memory_space<hbm>>
    tpu.enqueue_dma source(%dma_start3A_138 : memref<256xi32, #tpu.memory_space<hbm>>) target(%arg6 : memref<256xi32, #tpu.memory_space<vmem>>) target_semaphore(%arg12 : memref<!tpu.dma_semaphore, #tpu.memory_space<semaphore_mem>>)
    %dma_wait3A = arith.constant 0 : i32
    %dma_wait3A_139 = arith.constant 0 : i32
    %dma_wait3A_140 = tpu.memref_slice %arg2[%dma_wait3A, %dma_wait3A_139] : memref<200x16384xi32, #tpu.memory_space<hbm>> -> memref<1x256xi32, #tpu.memory_space<hbm>>
    %dma_wait3A_141 = tpu.memref_squeeze %dma_wait3A_140 : memref<1x256xi32, #tpu.memory_space<hbm>> -> memref<256xi32, #tpu.memory_space<hbm>>
    %dma_wait3A_142 = arith.constant 0 : i32
    %dma_wait3A_143 = tpu.memref_slice %arg2[%dma_wait3A, %dma_wait3A_142] : memref<200x16384xi32, #tpu.memory_space<hbm>> -> memref<1x256xi32, #tpu.memory_space<hbm>>
    %dma_wait3A_144 = tpu.memref_squeeze %dma_wait3A_143 : memref<1x256xi32, #tpu.memory_space<hbm>> -> memref<256xi32, #tpu.memory_space<hbm>>
    tpu.wait_dma2 semaphore(%arg11 : memref<!tpu.dma_semaphore, #tpu.memory_space<semaphore_mem>>) src(%dma_wait3A_144 : memref<256xi32, #tpu.memory_space<hbm>>) dst(%arg5 : memref<256xi32, #tpu.memory_space<vmem>>)
    %dma_start3A_145 = arith.constant 0 : i32
    %dma_start3A_146 = arith.constant 0 : i32
    %dma_start3A_147 = tpu.memref_slice %arg3[%dma_start3A_145, %dma_start3A_146] : memref<1000000x64xf32, #tpu.memory_space<hbm>> -> memref<1000000x64xf32, #tpu.memory_space<hbm>>
    tpu.enqueue_indirect_dma source(%dma_start3A_147 : memref<1000000x64xf32, #tpu.memory_space<hbm>>) target(%arg7 : memref<256x64xf32, #tpu.memory_space<vmem>>) offsets(%arg5 : memref<256xi32, #tpu.memory_space<vmem>>) semaphore(%arg13 : memref<!tpu.dma_semaphore, #tpu.memory_space<semaphore_mem>>)
    %scan3A = arith.constant 0 : i32
    %scan3A_148 = arith.constant 200 : i32
    %scan3A_149 = arith.addi %scan3A, %scan3A_148 : i32
    %scan3A_150 = arith.constant 1 : i32
    scf.for %scan3A_178 = %scan3A to %scan3A_149 step %scan3A_150  : i32 {
      %mul3A_179 = arith.constant 1 : i32
      %mul3A_180 = arith.muli %scan3A_178, %mul3A_179 : i32
      %add3A_181 = arith.constant 0 : i32
      %add3A_182 = arith.addi %add3A_181, %mul3A_180 : i32
      %mul3A_183 = arith.constant 2 : i32
      %mul3A_184 = arith.muli %add3A_182, %mul3A_183 : i32
      %dma_wait3A_185 = arith.constant 0 : i32
      %dma_wait3A_186 = arith.constant 0 : i32
      %dma_wait3A_187 = tpu.memref_slice %arg3[%dma_wait3A_185, %dma_wait3A_186] : memref<1000000x64xf32, #tpu.memory_space<hbm>> -> memref<1000000x64xf32, #tpu.memory_space<hbm>>
      tpu.wait_indirect_dma semaphore(%arg13 : memref<!tpu.dma_semaphore, #tpu.memory_space<semaphore_mem>>) src(%dma_wait3A_187 : memref<1000000x64xf32, #tpu.memory_space<hbm>>) dst(%arg7 : memref<256x64xf32, #tpu.memory_space<vmem>>)
      %add3A_188 = arith.constant 2 : i32
      %add3A_189 = arith.addi %mul3A_184, %add3A_188 : i32
      %lt3A = arith.constant 400 : i32
      %lt3A_190 = arith.cmpi slt, %add3A_189, %lt3A : i32
      %convert_element_type3A = arith.extui %lt3A_190 : i1 to i32
      %cond3A = arith.constant 0 : i32
      %cond3A_191 = arith.cmpi ne, %convert_element_type3A, %cond3A : i32
      scf.if %cond3A_191 {
        %add3A_392 = arith.constant 2 : i32
        %add3A_393 = arith.addi %mul3A_184, %add3A_392 : i32
        %jit3A_394 = arith.constant 2 : i32
        %div3A_395 = arith.divsi %add3A_393, %jit3A_394 : i32
        %sign3A_396 = arith.constant 0 : i32
        %sign3A_397 = arith.cmpi sgt, %add3A_393, %sign3A_396 : i32
        %sign3A_398 = arith.extui %sign3A_397 : i1 to i32
        %sign3A_399 = arith.constant 0 : i32
        %sign3A_400 = arith.cmpi slt, %add3A_393, %sign3A_399 : i32
        %sign3A_401 = arith.extui %sign3A_400 : i1 to i32
        %sign3A_402 = arith.subi %sign3A_398, %sign3A_401 : i32
        %sign3A_403 = arith.constant 0 : i32
        %sign3A_404 = arith.cmpi sgt, %jit3A_394, %sign3A_403 : i32
        %sign3A_405 = arith.extui %sign3A_404 : i1 to i32
        %sign3A_406 = arith.constant 0 : i32
        %sign3A_407 = arith.cmpi slt, %jit3A_394, %sign3A_406 : i32
        %sign3A_408 = arith.extui %sign3A_407 : i1 to i32
        %sign3A_409 = arith.subi %sign3A_405, %sign3A_408 : i32
        %ne3A_410 = arith.cmpi ne, %sign3A_402, %sign3A_409 : i32
        %rem3A_411 = arith.remsi %add3A_393, %jit3A_394 : i32
        %ne3A_412 = arith.constant 0 : i32
        %ne3A_413 = arith.cmpi ne, %rem3A_411, %ne3A_412 : i32
        %and3A_414 = arith.andi %ne3A_410, %ne3A_413 : i1
        %sub3A_415 = arith.constant 1 : i32
        %sub3A_416 = arith.subi %div3A_395, %sub3A_415 : i32
        %select_n3A_417 = arith.select %and3A_414, %sub3A_416, %div3A_395 : i32
        %jit3A_418 = arith.constant 2 : i32
        %eq3A_419 = arith.constant 0 : i32
        %eq3A_420 = arith.cmpi eq, %jit3A_418, %eq3A_419 : i32
        %jit3A_421 = arith.constant 1 : i32
        %select_n3A_422 = arith.select %eq3A_420, %jit3A_421, %jit3A_418 : i32
        %rem3A_423 = arith.remsi %add3A_393, %select_n3A_422 : i32
        %ne3A_424 = arith.constant 0 : i32
        %ne3A_425 = arith.cmpi ne, %rem3A_423, %ne3A_424 : i32
        %lt3A_426 = arith.constant 0 : i32
        %lt3A_427 = arith.cmpi slt, %rem3A_423, %lt3A_426 : i32
        %lt3A_428 = arith.constant 0 : i32
        %lt3A_429 = arith.cmpi slt, %select_n3A_422, %lt3A_428 : i32
        %ne3A_430 = arith.xori %lt3A_427, %lt3A_429 : i1
        %and3A_431 = arith.andi %ne3A_430, %ne3A_425 : i1
        %add3A_432 = arith.addi %rem3A_423, %select_n3A_422 : i32
        %select_n3A_433 = arith.select %and3A_431, %add3A_432, %rem3A_423 : i32
        %mul3A_434 = arith.constant 256 : i32
        %mul3A_435 = arith.muli %select_n3A_433, %mul3A_434 : i32
        %add3A_436 = arith.addi %mul3A_2, %mul3A_435 : i32
        %dma_start3A_437 = tpu.memref_slice %arg2[%select_n3A_417, %add3A_436] : memref<200x16384xi32, #tpu.memory_space<hbm>> -> memref<1x256xi32, #tpu.memory_space<hbm>>
        %dma_start3A_438 = tpu.memref_squeeze %dma_start3A_437 : memref<1x256xi32, #tpu.memory_space<hbm>> -> memref<256xi32, #tpu.memory_space<hbm>>
        %dma_start3A_439 = tpu.memref_slice %arg2[%select_n3A_417, %add3A_436] : memref<200x16384xi32, #tpu.memory_space<hbm>> -> memref<1x256xi32, #tpu.memory_space<hbm>>
        %dma_start3A_440 = tpu.memref_squeeze %dma_start3A_439 : memref<1x256xi32, #tpu.memory_space<hbm>> -> memref<256xi32, #tpu.memory_space<hbm>>
        tpu.enqueue_dma source(%dma_start3A_440 : memref<256xi32, #tpu.memory_space<hbm>>) target(%arg5 : memref<256xi32, #tpu.memory_space<vmem>>) target_semaphore(%arg11 : memref<!tpu.dma_semaphore, #tpu.memory_space<semaphore_mem>>)
      } else {
      }
      %add3A_192 = arith.constant 1 : i32
      %add3A_193 = arith.addi %mul3A_184, %add3A_192 : i32
      %lt3A_194 = arith.constant 400 : i32
      %lt3A_195 = arith.cmpi slt, %add3A_193, %lt3A_194 : i32
      %convert_element_type3A_196 = arith.extui %lt3A_195 : i1 to i32
      %cond3A_197 = arith.constant 0 : i32
      %cond3A_198 = arith.cmpi ne, %convert_element_type3A_196, %cond3A_197 : i32
      scf.if %cond3A_198 {
        %dma_wait3A_392 = arith.constant 0 : i32
        %dma_wait3A_393 = arith.constant 0 : i32
        %dma_wait3A_394 = tpu.memref_slice %arg2[%dma_wait3A_392, %dma_wait3A_393] : memref<200x16384xi32, #tpu.memory_space<hbm>> -> memref<1x256xi32, #tpu.memory_space<hbm>>
        %dma_wait3A_395 = tpu.memref_squeeze %dma_wait3A_394 : memref<1x256xi32, #tpu.memory_space<hbm>> -> memref<256xi32, #tpu.memory_space<hbm>>
        %dma_wait3A_396 = arith.constant 0 : i32
        %dma_wait3A_397 = tpu.memref_slice %arg2[%dma_wait3A_392, %dma_wait3A_396] : memref<200x16384xi32, #tpu.memory_space<hbm>> -> memref<1x256xi32, #tpu.memory_space<hbm>>
        %dma_wait3A_398 = tpu.memref_squeeze %dma_wait3A_397 : memref<1x256xi32, #tpu.memory_space<hbm>> -> memref<256xi32, #tpu.memory_space<hbm>>
        tpu.wait_dma2 semaphore(%arg12 : memref<!tpu.dma_semaphore, #tpu.memory_space<semaphore_mem>>) src(%dma_wait3A_398 : memref<256xi32, #tpu.memory_space<hbm>>) dst(%arg6 : memref<256xi32, #tpu.memory_space<vmem>>)
        %dma_start3A_399 = arith.constant 0 : i32
        %dma_start3A_400 = arith.constant 0 : i32
        %dma_start3A_401 = tpu.memref_slice %arg3[%dma_start3A_399, %dma_start3A_400] : memref<1000000x64xf32, #tpu.memory_space<hbm>> -> memref<1000000x64xf32, #tpu.memory_space<hbm>>
        tpu.enqueue_indirect_dma source(%dma_start3A_401 : memref<1000000x64xf32, #tpu.memory_space<hbm>>) target(%arg8 : memref<256x64xf32, #tpu.memory_space<vmem>>) offsets(%arg6 : memref<256xi32, #tpu.memory_space<vmem>>) semaphore(%arg14 : memref<!tpu.dma_semaphore, #tpu.memory_space<semaphore_mem>>)
      } else {
      }
      %ge3A = arith.constant 2 : i32
      %ge3A_199 = arith.cmpi sge, %mul3A_184, %ge3A : i32
      %convert_element_type3A_200 = arith.extui %ge3A_199 : i1 to i32
      %cond3A_201 = arith.constant 0 : i32
      %cond3A_202 = arith.cmpi ne, %convert_element_type3A_200, %cond3A_201 : i32
      scf.if %cond3A_202 {
        %dma_wait3A_392 = arith.constant 0 : i32
        %dma_wait3A_393 = arith.constant 0 : i32
        %dma_wait3A_394 = arith.constant 0 : i32
        %dma_wait3A_395 = arith.constant 0 : i32
        %dma_wait3A_396 = arith.constant 0 : i32
        %dma_wait3A_397 = tpu.memref_slice %arg4[%dma_wait3A_392, %dma_wait3A_393, %dma_wait3A_394, %dma_wait3A_395, %dma_wait3A_396] : memref<200x8x128x8x128xf32, #tpu.memory_space<hbm>> -> memref<1x8x2x8x128xf32, #tpu.memory_space<hbm>>
        %dma_wait3A_398 = tpu.memref_squeeze %dma_wait3A_397 : memref<1x8x2x8x128xf32, #tpu.memory_space<hbm>> -> memref<8x2x8x128xf32, #tpu.memory_space<hbm>>
        %dma_wait3A_399 = arith.constant 0 : i32
        %dma_wait3A_400 = arith.constant 0 : i32
        %dma_wait3A_401 = arith.constant 0 : i32
        %dma_wait3A_402 = arith.constant 0 : i32
        %dma_wait3A_403 = tpu.memref_slice %arg4[%dma_wait3A_392, %dma_wait3A_399, %dma_wait3A_400, %dma_wait3A_401, %dma_wait3A_402] : memref<200x8x128x8x128xf32, #tpu.memory_space<hbm>> -> memref<1x8x2x8x128xf32, #tpu.memory_space<hbm>>
        %dma_wait3A_404 = tpu.memref_squeeze %dma_wait3A_403 : memref<1x8x2x8x128xf32, #tpu.memory_space<hbm>> -> memref<8x2x8x128xf32, #tpu.memory_space<hbm>>
        tpu.wait_dma2 semaphore(%arg15 : memref<!tpu.dma_semaphore, #tpu.memory_space<semaphore_mem>>) src(%arg9 : memref<8x2x8x128xf32, #tpu.memory_space<vmem>>) dst(%dma_wait3A_404 : memref<8x2x8x128xf32, #tpu.memory_space<hbm>>)
      } else {
      }
      %scan3A_203 = arith.constant 0 : i32
      %scan3A_204 = arith.constant 64 : i32
      %scan3A_205 = arith.addi %scan3A_203, %scan3A_204 : i32
      %scan3A_206 = arith.constant 1 : i32
      scf.for %scan3A_392 = %scan3A_203 to %scan3A_205 step %scan3A_206  : i32 {
        %mul3A_393 = arith.constant 1 : i32
        %mul3A_394 = arith.muli %scan3A_392, %mul3A_393 : i32
        %add3A_395 = arith.constant 0 : i32
        %add3A_396 = arith.addi %add3A_395, %mul3A_394 : i32
        %jit3A_397 = arith.constant 16 : i32
        %div3A_398 = arith.divsi %add3A_396, %jit3A_397 : i32
        %sign3A_399 = arith.constant 0 : i32
        %sign3A_400 = arith.cmpi sgt, %add3A_396, %sign3A_399 : i32
        %sign3A_401 = arith.extui %sign3A_400 : i1 to i32
        %sign3A_402 = arith.constant 0 : i32
        %sign3A_403 = arith.cmpi slt, %add3A_396, %sign3A_402 : i32
        %sign3A_404 = arith.extui %sign3A_403 : i1 to i32
        %sign3A_405 = arith.subi %sign3A_401, %sign3A_404 : i32
        %sign3A_406 = arith.constant 0 : i32
        %sign3A_407 = arith.cmpi sgt, %jit3A_397, %sign3A_406 : i32
        %sign3A_408 = arith.extui %sign3A_407 : i1 to i32
        %sign3A_409 = arith.constant 0 : i32
        %sign3A_410 = arith.cmpi slt, %jit3A_397, %sign3A_409 : i32
        %sign3A_411 = arith.extui %sign3A_410 : i1 to i32
        %sign3A_412 = arith.subi %sign3A_408, %sign3A_411 : i32
        %ne3A_413 = arith.cmpi ne, %sign3A_405, %sign3A_412 : i32
        %rem3A_414 = arith.remsi %add3A_396, %jit3A_397 : i32
        %ne3A_415 = arith.constant 0 : i32
        %ne3A_416 = arith.cmpi ne, %rem3A_414, %ne3A_415 : i32
        %and3A_417 = arith.andi %ne3A_413, %ne3A_416 : i1
        %sub3A_418 = arith.constant 1 : i32
        %sub3A_419 = arith.subi %div3A_398, %sub3A_418 : i32
        %select_n3A_420 = arith.select %and3A_417, %sub3A_419, %div3A_398 : i32
        %mul3A_421 = arith.constant 16 : i32
        %mul3A_422 = arith.muli %select_n3A_420, %mul3A_421 : i32
        %sub3A_423 = arith.subi %add3A_396, %mul3A_422 : i32
        %add3A_424 = vector.broadcast %sub3A_423 : i32 to vector<16xi32>
        %add3A_425 = arith.addi %iota3A, %add3A_424 : vector<16xi32>
        %and3A_426 = arith.constant 15 : i32
        %and3A_427 = vector.broadcast %and3A_426 : i32 to vector<16xi32>
        %and3A_428 = arith.andi %add3A_425, %and3A_427 : vector<16xi32>
        %mul3A_429 = arith.constant 16 : i32
        %mul3A_430 = arith.muli %select_n3A_420, %mul3A_429 : i32
        %add3A_431 = vector.broadcast %mul3A_430 : i32 to vector<16xi32>
        %add3A_432 = arith.addi %and3A_428, %add3A_431 : vector<16xi32>
        %shift_right_logical3A = arith.constant 3 : i32
        %shift_right_logical3A_433 = vector.broadcast %shift_right_logical3A : i32 to vector<16xi32>
        %shift_right_logical3A_434 = arith.shrui %add3A_432, %shift_right_logical3A_433 : vector<16xi32>
        %and3A_435 = arith.constant 7 : i32
        %and3A_436 = vector.broadcast %and3A_435 : i32 to vector<16xi32>
        %and3A_437 = arith.andi %add3A_432, %and3A_436 : vector<16xi32>
        %gather3A = tpu.vector_load_idx %arg7[%add3A_32, %add3A_432] : memref<256x64xf32, #tpu.memory_space<vmem>>[vector<16xi32>, vector<16xi32>], vector<16xf32>,
        %gather3A_438 = tpu.vector_load_idx %arg7[%add3A_38, %add3A_432] : memref<256x64xf32, #tpu.memory_space<vmem>>[vector<16xi32>, vector<16xi32>], vector<16xf32>,
        %gather3A_439 = tpu.vector_load_idx %arg7[%add3A_44, %add3A_432] : memref<256x64xf32, #tpu.memory_space<vmem>>[vector<16xi32>, vector<16xi32>], vector<16xf32>,
        %gather3A_440 = tpu.vector_load_idx %arg7[%add3A_50, %add3A_432] : memref<256x64xf32, #tpu.memory_space<vmem>>[vector<16xi32>, vector<16xi32>], vector<16xf32>,
        %gather3A_441 = tpu.vector_load_idx %arg7[%add3A_56, %add3A_432] : memref<256x64xf32, #tpu.memory_space<vmem>>[vector<16xi32>, vector<16xi32>], vector<16xf32>,
        %gather3A_442 = tpu.vector_load_idx %arg7[%add3A_62, %add3A_432] : memref<256x64xf32, #tpu.memory_space<vmem>>[vector<16xi32>, vector<16xi32>], vector<16xf32>,
        %gather3A_443 = tpu.vector_load_idx %arg7[%add3A_68, %add3A_432] : memref<256x64xf32, #tpu.memory_space<vmem>>[vector<16xi32>, vector<16xi32>], vector<16xf32>,
        %gather3A_444 = tpu.vector_load_idx %arg7[%add3A_74, %add3A_432] : memref<256x64xf32, #tpu.memory_space<vmem>>[vector<16xi32>, vector<16xi32>], vector<16xf32>,
        %gather3A_445 = tpu.vector_load_idx %arg7[%add3A_80, %add3A_432] : memref<256x64xf32, #tpu.memory_space<vmem>>[vector<16xi32>, vector<16xi32>], vector<16xf32>,
        %gather3A_446 = tpu.vector_load_idx %arg7[%add3A_86, %add3A_432] : memref<256x64xf32, #tpu.memory_space<vmem>>[vector<16xi32>, vector<16xi32>], vector<16xf32>,
        %gather3A_447 = tpu.vector_load_idx %arg7[%add3A_92, %add3A_432] : memref<256x64xf32, #tpu.memory_space<vmem>>[vector<16xi32>, vector<16xi32>], vector<16xf32>,
        %gather3A_448 = tpu.vector_load_idx %arg7[%add3A_98, %add3A_432] : memref<256x64xf32, #tpu.memory_space<vmem>>[vector<16xi32>, vector<16xi32>], vector<16xf32>,
        %gather3A_449 = tpu.vector_load_idx %arg7[%add3A_104, %add3A_432] : memref<256x64xf32, #tpu.memory_space<vmem>>[vector<16xi32>, vector<16xi32>], vector<16xf32>,
        %gather3A_450 = tpu.vector_load_idx %arg7[%add3A_110, %add3A_432] : memref<256x64xf32, #tpu.memory_space<vmem>>[vector<16xi32>, vector<16xi32>], vector<16xf32>,
        %gather3A_451 = tpu.vector_load_idx %arg7[%add3A_116, %add3A_432] : memref<256x64xf32, #tpu.memory_space<vmem>>[vector<16xi32>, vector<16xi32>], vector<16xf32>,
        %gather3A_452 = tpu.vector_load_idx %arg7[%add3A_122, %add3A_432] : memref<256x64xf32, #tpu.memory_space<vmem>>[vector<16xi32>, vector<16xi32>], vector<16xf32>,
        tpu.vector_store_idx %arg9[%shift_right_logical3A_434, %broadcast_in_dim3A_123, %and3A_437, %add3A_5], %gather3A : memref<8x2x8x128xf32, #tpu.memory_space<vmem>>[vector<16xi32>, vector<16xi32>, vector<16xi32>, vector<16xi32>], vector<16xf32>,
        tpu.vector_store_idx %arg9[%shift_right_logical3A_434, %broadcast_in_dim3A_123, %and3A_437, %add3A_8], %gather3A_438 : memref<8x2x8x128xf32, #tpu.memory_space<vmem>>[vector<16xi32>, vector<16xi32>, vector<16xi32>, vector<16xi32>], vector<16xf32>,
        tpu.vector_store_idx %arg9[%shift_right_logical3A_434, %broadcast_in_dim3A_123, %and3A_437, %add3A_11], %gather3A_439 : memref<8x2x8x128xf32, #tpu.memory_space<vmem>>[vector<16xi32>, vector<16xi32>, vector<16xi32>, vector<16xi32>], vector<16xf32>,
        tpu.vector_store_idx %arg9[%shift_right_logical3A_434, %broadcast_in_dim3A_123, %and3A_437, %add3A_14], %gather3A_440 : memref<8x2x8x128xf32, #tpu.memory_space<vmem>>[vector<16xi32>, vector<16xi32>, vector<16xi32>, vector<16xi32>], vector<16xf32>,
        tpu.vector_store_idx %arg9[%shift_right_logical3A_434, %broadcast_in_dim3A_123, %and3A_437, %add3A_17], %gather3A_441 : memref<8x2x8x128xf32, #tpu.memory_space<vmem>>[vector<16xi32>, vector<16xi32>, vector<16xi32>, vector<16xi32>], vector<16xf32>,
        tpu.vector_store_idx %arg9[%shift_right_logical3A_434, %broadcast_in_dim3A_123, %and3A_437, %add3A_20], %gather3A_442 : memref<8x2x8x128xf32, #tpu.memory_space<vmem>>[vector<16xi32>, vector<16xi32>, vector<16xi32>, vector<16xi32>], vector<16xf32>,
        tpu.vector_store_idx %arg9[%shift_right_logical3A_434, %broadcast_in_dim3A_123, %and3A_437, %add3A_23], %gather3A_443 : memref<8x2x8x128xf32, #tpu.memory_space<vmem>>[vector<16xi32>, vector<16xi32>, vector<16xi32>, vector<16xi32>], vector<16xf32>,
        tpu.vector_store_idx %arg9[%shift_right_logical3A_434, %broadcast_in_dim3A_123, %and3A_437, %add3A_26], %gather3A_444 : memref<8x2x8x128xf32, #tpu.memory_space<vmem>>[vector<16xi32>, vector<16xi32>, vector<16xi32>, vector<16xi32>], vector<16xf32>,
        tpu.vector_store_idx %arg9[%shift_right_logical3A_434, %broadcast_in_dim3A_125, %and3A_437, %add3A_5], %gather3A_445 : memref<8x2x8x128xf32, #tpu.memory_space<vmem>>[vector<16xi32>, vector<16xi32>, vector<16xi32>, vector<16xi32>], vector<16xf32>,
        tpu.vector_store_idx %arg9[%shift_right_logical3A_434, %broadcast_in_dim3A_125, %and3A_437, %add3A_8], %gather3A_446 : memref<8x2x8x128xf32, #tpu.memory_space<vmem>>[vector<16xi32>, vector<16xi32>, vector<16xi32>, vector<16xi32>], vector<16xf32>,
        tpu.vector_store_idx %arg9[%shift_right_logical3A_434, %broadcast_in_dim3A_125, %and3A_437, %add3A_11], %gather3A_447 : memref<8x2x8x128xf32, #tpu.memory_space<vmem>>[vector<16xi32>, vector<16xi32>, vector<16xi32>, vector<16xi32>], vector<16xf32>,
        tpu.vector_store_idx %arg9[%shift_right_logical3A_434, %broadcast_in_dim3A_125, %and3A_437, %add3A_14], %gather3A_448 : memref<8x2x8x128xf32, #tpu.memory_space<vmem>>[vector<16xi32>, vector<16xi32>, vector<16xi32>, vector<16xi32>], vector<16xf32>,
        tpu.vector_store_idx %arg9[%shift_right_logical3A_434, %broadcast_in_dim3A_125, %and3A_437, %add3A_17], %gather3A_449 : memref<8x2x8x128xf32, #tpu.memory_space<vmem>>[vector<16xi32>, vector<16xi32>, vector<16xi32>, vector<16xi32>], vector<16xf32>,
        tpu.vector_store_idx %arg9[%shift_right_logical3A_434, %broadcast_in_dim3A_125, %and3A_437, %add3A_20], %gather3A_450 : memref<8x2x8x128xf32, #tpu.memory_space<vmem>>[vector<16xi32>, vector<16xi32>, vector<16xi32>, vector<16xi32>], vector<16xf32>,
        tpu.vector_store_idx %arg9[%shift_right_logical3A_434, %broadcast_in_dim3A_125, %and3A_437, %add3A_23], %gather3A_451 : memref<8x2x8x128xf32, #tpu.memory_space<vmem>>[vector<16xi32>, vector<16xi32>, vector<16xi32>, vector<16xi32>], vector<16xf32>,
        tpu.vector_store_idx %arg9[%shift_right_logical3A_434, %broadcast_in_dim3A_125, %and3A_437, %add3A_26], %gather3A_452 : memref<8x2x8x128xf32, #tpu.memory_space<vmem>>[vector<16xi32>, vector<16xi32>, vector<16xi32>, vector<16xi32>], vector<16xf32>,
      }
      %scan3A_207 = arith.constant 64 : i32
      %jit3A = arith.constant 2 : i32
      %div3A = arith.divsi %mul3A_184, %jit3A : i32
      %sign3A = arith.constant 0 : i32
      %sign3A_208 = arith.cmpi sgt, %mul3A_184, %sign3A : i32
      %sign3A_209 = arith.extui %sign3A_208 : i1 to i32
      %sign3A_210 = arith.constant 0 : i32
      %sign3A_211 = arith.cmpi slt, %mul3A_184, %sign3A_210 : i32
      %sign3A_212 = arith.extui %sign3A_211 : i1 to i32
      %sign3A_213 = arith.subi %sign3A_209, %sign3A_212 : i32
      %sign3A_214 = arith.constant 0 : i32
      %sign3A_215 = arith.cmpi sgt, %jit3A, %sign3A_214 : i32
      %sign3A_216 = arith.extui %sign3A_215 : i1 to i32
      %sign3A_217 = arith.constant 0 : i32
      %sign3A_218 = arith.cmpi slt, %jit3A, %sign3A_217 : i32
      %sign3A_219 = arith.extui %sign3A_218 : i1 to i32
      %sign3A_220 = arith.subi %sign3A_216, %sign3A_219 : i32
      %ne3A = arith.cmpi ne, %sign3A_213, %sign3A_220 : i32
      %rem3A = arith.remsi %mul3A_184, %jit3A : i32
      %ne3A_221 = arith.constant 0 : i32
      %ne3A_222 = arith.cmpi ne, %rem3A, %ne3A_221 : i32
      %and3A = arith.andi %ne3A, %ne3A_222 : i1
      %sub3A = arith.constant 1 : i32
      %sub3A_223 = arith.subi %div3A, %sub3A : i32
      %select_n3A = arith.select %and3A, %sub3A_223, %div3A : i32
      %jit3A_224 = arith.constant 2 : i32
      %eq3A = arith.constant 0 : i32
      %eq3A_225 = arith.cmpi eq, %jit3A_224, %eq3A : i32
      %jit3A_226 = arith.constant 1 : i32
      %select_n3A_227 = arith.select %eq3A_225, %jit3A_226, %jit3A_224 : i32
      %rem3A_228 = arith.remsi %mul3A_184, %select_n3A_227 : i32
      %ne3A_229 = arith.constant 0 : i32
      %ne3A_230 = arith.cmpi ne, %rem3A_228, %ne3A_229 : i32
      %lt3A_231 = arith.constant 0 : i32
      %lt3A_232 = arith.cmpi slt, %rem3A_228, %lt3A_231 : i32
      %lt3A_233 = arith.constant 0 : i32
      %lt3A_234 = arith.cmpi slt, %select_n3A_227, %lt3A_233 : i32
      %ne3A_235 = arith.xori %lt3A_232, %lt3A_234 : i1
      %and3A_236 = arith.andi %ne3A_235, %ne3A_230 : i1
      %add3A_237 = arith.addi %rem3A_228, %select_n3A_227 : i32
      %select_n3A_238 = arith.select %and3A_236, %add3A_237, %rem3A_228 : i32
      %mul3A_239 = arith.constant 256 : i32
      %mul3A_240 = arith.muli %select_n3A_238, %mul3A_239 : i32
      %add3A_241 = arith.addi %mul3A_2, %mul3A_240 : i32
      %sub3A_242 = arith.subi %add3A_241, %mul3A_2 : i32
      %jit3A_243 = arith.constant 128 : i32
      %div3A_244 = arith.divsi %sub3A_242, %jit3A_243 : i32
      %sign3A_245 = arith.constant 0 : i32
      %sign3A_246 = arith.cmpi sgt, %sub3A_242, %sign3A_245 : i32
      %sign3A_247 = arith.extui %sign3A_246 : i1 to i32
      %sign3A_248 = arith.constant 0 : i32
      %sign3A_249 = arith.cmpi slt, %sub3A_242, %sign3A_248 : i32
      %sign3A_250 = arith.extui %sign3A_249 : i1 to i32
      %sign3A_251 = arith.subi %sign3A_247, %sign3A_250 : i32
      %sign3A_252 = arith.constant 0 : i32
      %sign3A_253 = arith.cmpi sgt, %jit3A_243, %sign3A_252 : i32
      %sign3A_254 = arith.extui %sign3A_253 : i1 to i32
      %sign3A_255 = arith.constant 0 : i32
      %sign3A_256 = arith.cmpi slt, %jit3A_243, %sign3A_255 : i32
      %sign3A_257 = arith.extui %sign3A_256 : i1 to i32
      %sign3A_258 = arith.subi %sign3A_254, %sign3A_257 : i32
      %ne3A_259 = arith.cmpi ne, %sign3A_251, %sign3A_258 : i32
      %rem3A_260 = arith.remsi %sub3A_242, %jit3A_243 : i32
      %ne3A_261 = arith.constant 0 : i32
      %ne3A_262 = arith.cmpi ne, %rem3A_260, %ne3A_261 : i32
      %and3A_263 = arith.andi %ne3A_259, %ne3A_262 : i1
      %sub3A_264 = arith.constant 1 : i32
      %sub3A_265 = arith.subi %div3A_244, %sub3A_264 : i32
      %select_n3A_266 = arith.select %and3A_263, %sub3A_265, %div3A_244 : i32
      %mul3A_267 = arith.constant 4 : i32
      %mul3A_268 = arith.muli %add3A, %mul3A_267 : i32
      %add3A_269 = arith.addi %select_n3A_266, %mul3A_268 : i32
      %dma_start3A_270 = arith.constant 0 : i32
      %dma_start3A_271 = arith.constant 0 : i32
      %dma_start3A_272 = arith.constant 0 : i32
      %dma_start3A_273 = tpu.memref_slice %arg4[%select_n3A, %dma_start3A_270, %add3A_269, %dma_start3A_271, %dma_start3A_272] : memref<200x8x128x8x128xf32, #tpu.memory_space<hbm>> -> memref<1x8x2x8x128xf32, #tpu.memory_space<hbm>>
      %dma_start3A_274 = tpu.memref_squeeze %dma_start3A_273 : memref<1x8x2x8x128xf32, #tpu.memory_space<hbm>> -> memref<8x2x8x128xf32, #tpu.memory_space<hbm>>
      %dma_start3A_275 = arith.constant 0 : i32
      %dma_start3A_276 = arith.constant 0 : i32
      %dma_start3A_277 = arith.constant 0 : i32
      %dma_start3A_278 = tpu.memref_slice %arg4[%select_n3A, %dma_start3A_275, %add3A_269, %dma_start3A_276, %dma_start3A_277] : memref<200x8x128x8x128xf32, #tpu.memory_space<hbm>> -> memref<1x8x2x8x128xf32, #tpu.memory_space<hbm>>
      %dma_start3A_279 = tpu.memref_squeeze %dma_start3A_278 : memref<1x8x2x8x128xf32, #tpu.memory_space<hbm>> -> memref<8x2x8x128xf32, #tpu.memory_space<hbm>>
      tpu.enqueue_dma source(%arg9 : memref<8x2x8x128xf32, #tpu.memory_space<vmem>>) target(%dma_start3A_279 : memref<8x2x8x128xf32, #tpu.memory_space<hbm>>) target_semaphore(%arg15 : memref<!tpu.dma_semaphore, #tpu.memory_space<semaphore_mem>>)
      %mul3A_280 = arith.constant 2 : i32
      %mul3A_281 = arith.muli %add3A_182, %mul3A_280 : i32
      %add3A_282 = arith.constant 1 : i32
      %add3A_283 = arith.addi %mul3A_281, %add3A_282 : i32
      %dma_wait3A_284 = arith.constant 0 : i32
      %dma_wait3A_285 = arith.constant 0 : i32
      %dma_wait3A_286 = tpu.memref_slice %arg3[%dma_wait3A_284, %dma_wait3A_285] : memref<1000000x64xf32, #tpu.memory_space<hbm>> -> memref<1000000x64xf32, #tpu.memory_space<hbm>>
      tpu.wait_indirect_dma semaphore(%arg14 : memref<!tpu.dma_semaphore, #tpu.memory_space<semaphore_mem>>) src(%dma_wait3A_286 : memref<1000000x64xf32, #tpu.memory_space<hbm>>) dst(%arg8 : memref<256x64xf32, #tpu.memory_space<vmem>>)
      %add3A_287 = arith.constant 2 : i32
      %add3A_288 = arith.addi %add3A_283, %add3A_287 : i32
      %lt3A_289 = arith.constant 400 : i32
      %lt3A_290 = arith.cmpi slt, %add3A_288, %lt3A_289 : i32
      %convert_element_type3A_291 = arith.extui %lt3A_290 : i1 to i32
      %cond3A_292 = arith.constant 0 : i32
      %cond3A_293 = arith.cmpi ne, %convert_element_type3A_291, %cond3A_292 : i32
      scf.if %cond3A_293 {
        %add3A_392 = arith.constant 2 : i32
        %add3A_393 = arith.addi %add3A_283, %add3A_392 : i32
        %jit3A_394 = arith.constant 2 : i32
        %div3A_395 = arith.divsi %add3A_393, %jit3A_394 : i32
        %sign3A_396 = arith.constant 0 : i32
        %sign3A_397 = arith.cmpi sgt, %add3A_393, %sign3A_396 : i32
        %sign3A_398 = arith.extui %sign3A_397 : i1 to i32
        %sign3A_399 = arith.constant 0 : i32
        %sign3A_400 = arith.cmpi slt, %add3A_393, %sign3A_399 : i32
        %sign3A_401 = arith.extui %sign3A_400 : i1 to i32
        %sign3A_402 = arith.subi %sign3A_398, %sign3A_401 : i32
        %sign3A_403 = arith.constant 0 : i32
        %sign3A_404 = arith.cmpi sgt, %jit3A_394, %sign3A_403 : i32
        %sign3A_405 = arith.extui %sign3A_404 : i1 to i32
        %sign3A_406 = arith.constant 0 : i32
        %sign3A_407 = arith.cmpi slt, %jit3A_394, %sign3A_406 : i32
        %sign3A_408 = arith.extui %sign3A_407 : i1 to i32
        %sign3A_409 = arith.subi %sign3A_405, %sign3A_408 : i32
        %ne3A_410 = arith.cmpi ne, %sign3A_402, %sign3A_409 : i32
        %rem3A_411 = arith.remsi %add3A_393, %jit3A_394 : i32
        %ne3A_412 = arith.constant 0 : i32
        %ne3A_413 = arith.cmpi ne, %rem3A_411, %ne3A_412 : i32
        %and3A_414 = arith.andi %ne3A_410, %ne3A_413 : i1
        %sub3A_415 = arith.constant 1 : i32
        %sub3A_416 = arith.subi %div3A_395, %sub3A_415 : i32
        %select_n3A_417 = arith.select %and3A_414, %sub3A_416, %div3A_395 : i32
        %jit3A_418 = arith.constant 2 : i32
        %eq3A_419 = arith.constant 0 : i32
        %eq3A_420 = arith.cmpi eq, %jit3A_418, %eq3A_419 : i32
        %jit3A_421 = arith.constant 1 : i32
        %select_n3A_422 = arith.select %eq3A_420, %jit3A_421, %jit3A_418 : i32
        %rem3A_423 = arith.remsi %add3A_393, %select_n3A_422 : i32
        %ne3A_424 = arith.constant 0 : i32
        %ne3A_425 = arith.cmpi ne, %rem3A_423, %ne3A_424 : i32
        %lt3A_426 = arith.constant 0 : i32
        %lt3A_427 = arith.cmpi slt, %rem3A_423, %lt3A_426 : i32
        %lt3A_428 = arith.constant 0 : i32
        %lt3A_429 = arith.cmpi slt, %select_n3A_422, %lt3A_428 : i32
        %ne3A_430 = arith.xori %lt3A_427, %lt3A_429 : i1
        %and3A_431 = arith.andi %ne3A_430, %ne3A_425 : i1
        %add3A_432 = arith.addi %rem3A_423, %select_n3A_422 : i32
        %select_n3A_433 = arith.select %and3A_431, %add3A_432, %rem3A_423 : i32
        %mul3A_434 = arith.constant 256 : i32
        %mul3A_435 = arith.muli %select_n3A_433, %mul3A_434 : i32
        %add3A_436 = arith.addi %mul3A_2, %mul3A_435 : i32
        %dma_start3A_437 = tpu.memref_slice %arg2[%select_n3A_417, %add3A_436] : memref<200x16384xi32, #tpu.memory_space<hbm>> -> memref<1x256xi32, #tpu.memory_space<hbm>>
        %dma_start3A_438 = tpu.memref_squeeze %dma_start3A_437 : memref<1x256xi32, #tpu.memory_space<hbm>> -> memref<256xi32, #tpu.memory_space<hbm>>
        %dma_start3A_439 = tpu.memref_slice %arg2[%select_n3A_417, %add3A_436] : memref<200x16384xi32, #tpu.memory_space<hbm>> -> memref<1x256xi32, #tpu.memory_space<hbm>>
        %dma_start3A_440 = tpu.memref_squeeze %dma_start3A_439 : memref<1x256xi32, #tpu.memory_space<hbm>> -> memref<256xi32, #tpu.memory_space<hbm>>
        tpu.enqueue_dma source(%dma_start3A_440 : memref<256xi32, #tpu.memory_space<hbm>>) target(%arg6 : memref<256xi32, #tpu.memory_space<vmem>>) target_semaphore(%arg12 : memref<!tpu.dma_semaphore, #tpu.memory_space<semaphore_mem>>)
      } else {
      }
      %add3A_294 = arith.constant 1 : i32
      %add3A_295 = arith.addi %add3A_283, %add3A_294 : i32
      %lt3A_296 = arith.constant 400 : i32
      %lt3A_297 = arith.cmpi slt, %add3A_295, %lt3A_296 : i32
      %convert_element_type3A_298 = arith.extui %lt3A_297 : i1 to i32
      %cond3A_299 = arith.constant 0 : i32
      %cond3A_300 = arith.cmpi ne, %convert_element_type3A_298, %cond3A_299 : i32
      scf.if %cond3A_300 {
        %dma_wait3A_392 = arith.constant 0 : i32
        %dma_wait3A_393 = arith.constant 0 : i32
        %dma_wait3A_394 = tpu.memref_slice %arg2[%dma_wait3A_392, %dma_wait3A_393] : memref<200x16384xi32, #tpu.memory_space<hbm>> -> memref<1x256xi32, #tpu.memory_space<hbm>>
        %dma_wait3A_395 = tpu.memref_squeeze %dma_wait3A_394 : memref<1x256xi32, #tpu.memory_space<hbm>> -> memref<256xi32, #tpu.memory_space<hbm>>
        %dma_wait3A_396 = arith.constant 0 : i32
        %dma_wait3A_397 = tpu.memref_slice %arg2[%dma_wait3A_392, %dma_wait3A_396] : memref<200x16384xi32, #tpu.memory_space<hbm>> -> memref<1x256xi32, #tpu.memory_space<hbm>>
        %dma_wait3A_398 = tpu.memref_squeeze %dma_wait3A_397 : memref<1x256xi32, #tpu.memory_space<hbm>> -> memref<256xi32, #tpu.memory_space<hbm>>
        tpu.wait_dma2 semaphore(%arg11 : memref<!tpu.dma_semaphore, #tpu.memory_space<semaphore_mem>>) src(%dma_wait3A_398 : memref<256xi32, #tpu.memory_space<hbm>>) dst(%arg5 : memref<256xi32, #tpu.memory_space<vmem>>)
        %dma_start3A_399 = arith.constant 0 : i32
        %dma_start3A_400 = arith.constant 0 : i32
        %dma_start3A_401 = tpu.memref_slice %arg3[%dma_start3A_399, %dma_start3A_400] : memref<1000000x64xf32, #tpu.memory_space<hbm>> -> memref<1000000x64xf32, #tpu.memory_space<hbm>>
        tpu.enqueue_indirect_dma source(%dma_start3A_401 : memref<1000000x64xf32, #tpu.memory_space<hbm>>) target(%arg7 : memref<256x64xf32, #tpu.memory_space<vmem>>) offsets(%arg5 : memref<256xi32, #tpu.memory_space<vmem>>) semaphore(%arg13 : memref<!tpu.dma_semaphore, #tpu.memory_space<semaphore_mem>>)
      } else {
      }
      %ge3A_301 = arith.constant 2 : i32
      %ge3A_302 = arith.cmpi sge, %add3A_283, %ge3A_301 : i32
      %convert_element_type3A_303 = arith.extui %ge3A_302 : i1 to i32
      %cond3A_304 = arith.constant 0 : i32
      %cond3A_305 = arith.cmpi ne, %convert_element_type3A_303, %cond3A_304 : i32
      scf.if %cond3A_305 {
        %dma_wait3A_392 = arith.constant 0 : i32
        %dma_wait3A_393 = arith.constant 0 : i32
        %dma_wait3A_394 = arith.constant 0 : i32
        %dma_wait3A_395 = arith.constant 0 : i32
        %dma_wait3A_396 = arith.constant 0 : i32
        %dma_wait3A_397 = tpu.memref_slice %arg4[%dma_wait3A_392, %dma_wait3A_393, %dma_wait3A_394, %dma_wait3A_395, %dma_wait3A_396] : memref<200x8x128x8x128xf32, #tpu.memory_space<hbm>> -> memref<1x8x2x8x128xf32, #tpu.memory_space<hbm>>
        %dma_wait3A_398 = tpu.memref_squeeze %dma_wait3A_397 : memref<1x8x2x8x128xf32, #tpu.memory_space<hbm>> -> memref<8x2x8x128xf32, #tpu.memory_space<hbm>>
        %dma_wait3A_399 = arith.constant 0 : i32
        %dma_wait3A_400 = arith.constant 0 : i32
        %dma_wait3A_401 = arith.constant 0 : i32
        %dma_wait3A_402 = arith.constant 0 : i32
        %dma_wait3A_403 = tpu.memref_slice %arg4[%dma_wait3A_392, %dma_wait3A_399, %dma_wait3A_400, %dma_wait3A_401, %dma_wait3A_402] : memref<200x8x128x8x128xf32, #tpu.memory_space<hbm>> -> memref<1x8x2x8x128xf32, #tpu.memory_space<hbm>>
        %dma_wait3A_404 = tpu.memref_squeeze %dma_wait3A_403 : memref<1x8x2x8x128xf32, #tpu.memory_space<hbm>> -> memref<8x2x8x128xf32, #tpu.memory_space<hbm>>
        tpu.wait_dma2 semaphore(%arg16 : memref<!tpu.dma_semaphore, #tpu.memory_space<semaphore_mem>>) src(%arg10 : memref<8x2x8x128xf32, #tpu.memory_space<vmem>>) dst(%dma_wait3A_404 : memref<8x2x8x128xf32, #tpu.memory_space<hbm>>)
      } else {
      }
      %scan3A_306 = arith.constant 0 : i32
      %scan3A_307 = arith.constant 64 : i32
      %scan3A_308 = arith.addi %scan3A_306, %scan3A_307 : i32
      %scan3A_309 = arith.constant 1 : i32
      scf.for %scan3A_392 = %scan3A_306 to %scan3A_308 step %scan3A_309  : i32 {
        %mul3A_393 = arith.constant 1 : i32
        %mul3A_394 = arith.muli %scan3A_392, %mul3A_393 : i32
        %add3A_395 = arith.constant 0 : i32
        %add3A_396 = arith.addi %add3A_395, %mul3A_394 : i32
        %jit3A_397 = arith.constant 16 : i32
        %div3A_398 = arith.divsi %add3A_396, %jit3A_397 : i32
        %sign3A_399 = arith.constant 0 : i32
        %sign3A_400 = arith.cmpi sgt, %add3A_396, %sign3A_399 : i32
        %sign3A_401 = arith.extui %sign3A_400 : i1 to i32
        %sign3A_402 = arith.constant 0 : i32
        %sign3A_403 = arith.cmpi slt, %add3A_396, %sign3A_402 : i32
        %sign3A_404 = arith.extui %sign3A_403 : i1 to i32
        %sign3A_405 = arith.subi %sign3A_401, %sign3A_404 : i32
        %sign3A_406 = arith.constant 0 : i32
        %sign3A_407 = arith.cmpi sgt, %jit3A_397, %sign3A_406 : i32
        %sign3A_408 = arith.extui %sign3A_407 : i1 to i32
        %sign3A_409 = arith.constant 0 : i32
        %sign3A_410 = arith.cmpi slt, %jit3A_397, %sign3A_409 : i32
        %sign3A_411 = arith.extui %sign3A_410 : i1 to i32
        %sign3A_412 = arith.subi %sign3A_408, %sign3A_411 : i32
        %ne3A_413 = arith.cmpi ne, %sign3A_405, %sign3A_412 : i32
        %rem3A_414 = arith.remsi %add3A_396, %jit3A_397 : i32
        %ne3A_415 = arith.constant 0 : i32
        %ne3A_416 = arith.cmpi ne, %rem3A_414, %ne3A_415 : i32
        %and3A_417 = arith.andi %ne3A_413, %ne3A_416 : i1
        %sub3A_418 = arith.constant 1 : i32
        %sub3A_419 = arith.subi %div3A_398, %sub3A_418 : i32
        %select_n3A_420 = arith.select %and3A_417, %sub3A_419, %div3A_398 : i32
        %mul3A_421 = arith.constant 16 : i32
        %mul3A_422 = arith.muli %select_n3A_420, %mul3A_421 : i32
        %sub3A_423 = arith.subi %add3A_396, %mul3A_422 : i32
        %add3A_424 = vector.broadcast %sub3A_423 : i32 to vector<16xi32>
        %add3A_425 = arith.addi %iota3A, %add3A_424 : vector<16xi32>
        %and3A_426 = arith.constant 15 : i32
        %and3A_427 = vector.broadcast %and3A_426 : i32 to vector<16xi32>
        %and3A_428 = arith.andi %add3A_425, %and3A_427 : vector<16xi32>
        %mul3A_429 = arith.constant 16 : i32
        %mul3A_430 = arith.muli %select_n3A_420, %mul3A_429 : i32
        %add3A_431 = vector.broadcast %mul3A_430 : i32 to vector<16xi32>
        %add3A_432 = arith.addi %and3A_428, %add3A_431 : vector<16xi32>
        %shift_right_logical3A = arith.constant 3 : i32
        %shift_right_logical3A_433 = vector.broadcast %shift_right_logical3A : i32 to vector<16xi32>
        %shift_right_logical3A_434 = arith.shrui %add3A_432, %shift_right_logical3A_433 : vector<16xi32>
        %and3A_435 = arith.constant 7 : i32
        %and3A_436 = vector.broadcast %and3A_435 : i32 to vector<16xi32>
        %and3A_437 = arith.andi %add3A_432, %and3A_436 : vector<16xi32>
        %gather3A = tpu.vector_load_idx %arg8[%add3A_32, %add3A_432] : memref<256x64xf32, #tpu.memory_space<vmem>>[vector<16xi32>, vector<16xi32>], vector<16xf32>,
        %gather3A_438 = tpu.vector_load_idx %arg8[%add3A_38, %add3A_432] : memref<256x64xf32, #tpu.memory_space<vmem>>[vector<16xi32>, vector<16xi32>], vector<16xf32>,
        %gather3A_439 = tpu.vector_load_idx %arg8[%add3A_44, %add3A_432] : memref<256x64xf32, #tpu.memory_space<vmem>>[vector<16xi32>, vector<16xi32>], vector<16xf32>,
        %gather3A_440 = tpu.vector_load_idx %arg8[%add3A_50, %add3A_432] : memref<256x64xf32, #tpu.memory_space<vmem>>[vector<16xi32>, vector<16xi32>], vector<16xf32>,
        %gather3A_441 = tpu.vector_load_idx %arg8[%add3A_56, %add3A_432] : memref<256x64xf32, #tpu.memory_space<vmem>>[vector<16xi32>, vector<16xi32>], vector<16xf32>,
        %gather3A_442 = tpu.vector_load_idx %arg8[%add3A_62, %add3A_432] : memref<256x64xf32, #tpu.memory_space<vmem>>[vector<16xi32>, vector<16xi32>], vector<16xf32>,
        %gather3A_443 = tpu.vector_load_idx %arg8[%add3A_68, %add3A_432] : memref<256x64xf32, #tpu.memory_space<vmem>>[vector<16xi32>, vector<16xi32>], vector<16xf32>,
        %gather3A_444 = tpu.vector_load_idx %arg8[%add3A_74, %add3A_432] : memref<256x64xf32, #tpu.memory_space<vmem>>[vector<16xi32>, vector<16xi32>], vector<16xf32>,
        %gather3A_445 = tpu.vector_load_idx %arg8[%add3A_80, %add3A_432] : memref<256x64xf32, #tpu.memory_space<vmem>>[vector<16xi32>, vector<16xi32>], vector<16xf32>,
        %gather3A_446 = tpu.vector_load_idx %arg8[%add3A_86, %add3A_432] : memref<256x64xf32, #tpu.memory_space<vmem>>[vector<16xi32>, vector<16xi32>], vector<16xf32>,
        %gather3A_447 = tpu.vector_load_idx %arg8[%add3A_92, %add3A_432] : memref<256x64xf32, #tpu.memory_space<vmem>>[vector<16xi32>, vector<16xi32>], vector<16xf32>,
        %gather3A_448 = tpu.vector_load_idx %arg8[%add3A_98, %add3A_432] : memref<256x64xf32, #tpu.memory_space<vmem>>[vector<16xi32>, vector<16xi32>], vector<16xf32>,
        %gather3A_449 = tpu.vector_load_idx %arg8[%add3A_104, %add3A_432] : memref<256x64xf32, #tpu.memory_space<vmem>>[vector<16xi32>, vector<16xi32>], vector<16xf32>,
        %gather3A_450 = tpu.vector_load_idx %arg8[%add3A_110, %add3A_432] : memref<256x64xf32, #tpu.memory_space<vmem>>[vector<16xi32>, vector<16xi32>], vector<16xf32>,
        %gather3A_451 = tpu.vector_load_idx %arg8[%add3A_116, %add3A_432] : memref<256x64xf32, #tpu.memory_space<vmem>>[vector<16xi32>, vector<16xi32>], vector<16xf32>,
        %gather3A_452 = tpu.vector_load_idx %arg8[%add3A_122, %add3A_432] : memref<256x64xf32, #tpu.memory_space<vmem>>[vector<16xi32>, vector<16xi32>], vector<16xf32>,
        tpu.vector_store_idx %arg10[%shift_right_logical3A_434, %broadcast_in_dim3A_123, %and3A_437, %add3A_5], %gather3A : memref<8x2x8x128xf32, #tpu.memory_space<vmem>>[vector<16xi32>, vector<16xi32>, vector<16xi32>, vector<16xi32>], vector<16xf32>,
        tpu.vector_store_idx %arg10[%shift_right_logical3A_434, %broadcast_in_dim3A_123, %and3A_437, %add3A_8], %gather3A_438 : memref<8x2x8x128xf32, #tpu.memory_space<vmem>>[vector<16xi32>, vector<16xi32>, vector<16xi32>, vector<16xi32>], vector<16xf32>,
        tpu.vector_store_idx %arg10[%shift_right_logical3A_434, %broadcast_in_dim3A_123, %and3A_437, %add3A_11], %gather3A_439 : memref<8x2x8x128xf32, #tpu.memory_space<vmem>>[vector<16xi32>, vector<16xi32>, vector<16xi32>, vector<16xi32>], vector<16xf32>,
        tpu.vector_store_idx %arg10[%shift_right_logical3A_434, %broadcast_in_dim3A_123, %and3A_437, %add3A_14], %gather3A_440 : memref<8x2x8x128xf32, #tpu.memory_space<vmem>>[vector<16xi32>, vector<16xi32>, vector<16xi32>, vector<16xi32>], vector<16xf32>,
        tpu.vector_store_idx %arg10[%shift_right_logical3A_434, %broadcast_in_dim3A_123, %and3A_437, %add3A_17], %gather3A_441 : memref<8x2x8x128xf32, #tpu.memory_space<vmem>>[vector<16xi32>, vector<16xi32>, vector<16xi32>, vector<16xi32>], vector<16xf32>,
        tpu.vector_store_idx %arg10[%shift_right_logical3A_434, %broadcast_in_dim3A_123, %and3A_437, %add3A_20], %gather3A_442 : memref<8x2x8x128xf32, #tpu.memory_space<vmem>>[vector<16xi32>, vector<16xi32>, vector<16xi32>, vector<16xi32>], vector<16xf32>,
        tpu.vector_store_idx %arg10[%shift_right_logical3A_434, %broadcast_in_dim3A_123, %and3A_437, %add3A_23], %gather3A_443 : memref<8x2x8x128xf32, #tpu.memory_space<vmem>>[vector<16xi32>, vector<16xi32>, vector<16xi32>, vector<16xi32>], vector<16xf32>,
        tpu.vector_store_idx %arg10[%shift_right_logical3A_434, %broadcast_in_dim3A_123, %and3A_437, %add3A_26], %gather3A_444 : memref<8x2x8x128xf32, #tpu.memory_space<vmem>>[vector<16xi32>, vector<16xi32>, vector<16xi32>, vector<16xi32>], vector<16xf32>,
        tpu.vector_store_idx %arg10[%shift_right_logical3A_434, %broadcast_in_dim3A_125, %and3A_437, %add3A_5], %gather3A_445 : memref<8x2x8x128xf32, #tpu.memory_space<vmem>>[vector<16xi32>, vector<16xi32>, vector<16xi32>, vector<16xi32>], vector<16xf32>,
        tpu.vector_store_idx %arg10[%shift_right_logical3A_434, %broadcast_in_dim3A_125, %and3A_437, %add3A_8], %gather3A_446 : memref<8x2x8x128xf32, #tpu.memory_space<vmem>>[vector<16xi32>, vector<16xi32>, vector<16xi32>, vector<16xi32>], vector<16xf32>,
        tpu.vector_store_idx %arg10[%shift_right_logical3A_434, %broadcast_in_dim3A_125, %and3A_437, %add3A_11], %gather3A_447 : memref<8x2x8x128xf32, #tpu.memory_space<vmem>>[vector<16xi32>, vector<16xi32>, vector<16xi32>, vector<16xi32>], vector<16xf32>,
        tpu.vector_store_idx %arg10[%shift_right_logical3A_434, %broadcast_in_dim3A_125, %and3A_437, %add3A_14], %gather3A_448 : memref<8x2x8x128xf32, #tpu.memory_space<vmem>>[vector<16xi32>, vector<16xi32>, vector<16xi32>, vector<16xi32>], vector<16xf32>,
        tpu.vector_store_idx %arg10[%shift_right_logical3A_434, %broadcast_in_dim3A_125, %and3A_437, %add3A_17], %gather3A_449 : memref<8x2x8x128xf32, #tpu.memory_space<vmem>>[vector<16xi32>, vector<16xi32>, vector<16xi32>, vector<16xi32>], vector<16xf32>,
        tpu.vector_store_idx %arg10[%shift_right_logical3A_434, %broadcast_in_dim3A_125, %and3A_437, %add3A_20], %gather3A_450 : memref<8x2x8x128xf32, #tpu.memory_space<vmem>>[vector<16xi32>, vector<16xi32>, vector<16xi32>, vector<16xi32>], vector<16xf32>,
        tpu.vector_store_idx %arg10[%shift_right_logical3A_434, %broadcast_in_dim3A_125, %and3A_437, %add3A_23], %gather3A_451 : memref<8x2x8x128xf32, #tpu.memory_space<vmem>>[vector<16xi32>, vector<16xi32>, vector<16xi32>, vector<16xi32>], vector<16xf32>,
        tpu.vector_store_idx %arg10[%shift_right_logical3A_434, %broadcast_in_dim3A_125, %and3A_437, %add3A_26], %gather3A_452 : memref<8x2x8x128xf32, #tpu.memory_space<vmem>>[vector<16xi32>, vector<16xi32>, vector<16xi32>, vector<16xi32>], vector<16xf32>,
      }
      %scan3A_310 = arith.constant 64 : i32
      %jit3A_311 = arith.constant 2 : i32
      %div3A_312 = arith.divsi %add3A_283, %jit3A_311 : i32
      %sign3A_313 = arith.constant 0 : i32
      %sign3A_314 = arith.cmpi sgt, %add3A_283, %sign3A_313 : i32
      %sign3A_315 = arith.extui %sign3A_314 : i1 to i32
      %sign3A_316 = arith.constant 0 : i32
      %sign3A_317 = arith.cmpi slt, %add3A_283, %sign3A_316 : i32
      %sign3A_318 = arith.extui %sign3A_317 : i1 to i32
      %sign3A_319 = arith.subi %sign3A_315, %sign3A_318 : i32
      %sign3A_320 = arith.constant 0 : i32
      %sign3A_321 = arith.cmpi sgt, %jit3A_311, %sign3A_320 : i32
      %sign3A_322 = arith.extui %sign3A_321 : i1 to i32
      %sign3A_323 = arith.constant 0 : i32
      %sign3A_324 = arith.cmpi slt, %jit3A_311, %sign3A_323 : i32
      %sign3A_325 = arith.extui %sign3A_324 : i1 to i32
      %sign3A_326 = arith.subi %sign3A_322, %sign3A_325 : i32
      %ne3A_327 = arith.cmpi ne, %sign3A_319, %sign3A_326 : i32
      %rem3A_328 = arith.remsi %add3A_283, %jit3A_311 : i32
      %ne3A_329 = arith.constant 0 : i32
      %ne3A_330 = arith.cmpi ne, %rem3A_328, %ne3A_329 : i32
      %and3A_331 = arith.andi %ne3A_327, %ne3A_330 : i1
      %sub3A_332 = arith.constant 1 : i32
      %sub3A_333 = arith.subi %div3A_312, %sub3A_332 : i32
      %select_n3A_334 = arith.select %and3A_331, %sub3A_333, %div3A_312 : i32
      %jit3A_335 = arith.constant 2 : i32
      %eq3A_336 = arith.constant 0 : i32
      %eq3A_337 = arith.cmpi eq, %jit3A_335, %eq3A_336 : i32
      %jit3A_338 = arith.constant 1 : i32
      %select_n3A_339 = arith.select %eq3A_337, %jit3A_338, %jit3A_335 : i32
      %rem3A_340 = arith.remsi %add3A_283, %select_n3A_339 : i32
      %ne3A_341 = arith.constant 0 : i32
      %ne3A_342 = arith.cmpi ne, %rem3A_340, %ne3A_341 : i32
      %lt3A_343 = arith.constant 0 : i32
      %lt3A_344 = arith.cmpi slt, %rem3A_340, %lt3A_343 : i32
      %lt3A_345 = arith.constant 0 : i32
      %lt3A_346 = arith.cmpi slt, %select_n3A_339, %lt3A_345 : i32
      %ne3A_347 = arith.xori %lt3A_344, %lt3A_346 : i1
      %and3A_348 = arith.andi %ne3A_347, %ne3A_342 : i1
      %add3A_349 = arith.addi %rem3A_340, %select_n3A_339 : i32
      %select_n3A_350 = arith.select %and3A_348, %add3A_349, %rem3A_340 : i32
      %mul3A_351 = arith.constant 256 : i32
      %mul3A_352 = arith.muli %select_n3A_350, %mul3A_351 : i32
      %add3A_353 = arith.addi %mul3A_2, %mul3A_352 : i32
      %sub3A_354 = arith.subi %add3A_353, %mul3A_2 : i32
      %jit3A_355 = arith.constant 128 : i32
      %div3A_356 = arith.divsi %sub3A_354, %jit3A_355 : i32
      %sign3A_357 = arith.constant 0 : i32
      %sign3A_358 = arith.cmpi sgt, %sub3A_354, %sign3A_357 : i32
      %sign3A_359 = arith.extui %sign3A_358 : i1 to i32
      %sign3A_360 = arith.constant 0 : i32
      %sign3A_361 = arith.cmpi slt, %sub3A_354, %sign3A_360 : i32
      %sign3A_362 = arith.extui %sign3A_361 : i1 to i32
      %sign3A_363 = arith.subi %sign3A_359, %sign3A_362 : i32
      %sign3A_364 = arith.constant 0 : i32
      %sign3A_365 = arith.cmpi sgt, %jit3A_355, %sign3A_364 : i32
      %sign3A_366 = arith.extui %sign3A_365 : i1 to i32
      %sign3A_367 = arith.constant 0 : i32
      %sign3A_368 = arith.cmpi slt, %jit3A_355, %sign3A_367 : i32
      %sign3A_369 = arith.extui %sign3A_368 : i1 to i32
      %sign3A_370 = arith.subi %sign3A_366, %sign3A_369 : i32
      %ne3A_371 = arith.cmpi ne, %sign3A_363, %sign3A_370 : i32
      %rem3A_372 = arith.remsi %sub3A_354, %jit3A_355 : i32
      %ne3A_373 = arith.constant 0 : i32
      %ne3A_374 = arith.cmpi ne, %rem3A_372, %ne3A_373 : i32
      %and3A_375 = arith.andi %ne3A_371, %ne3A_374 : i1
      %sub3A_376 = arith.constant 1 : i32
      %sub3A_377 = arith.subi %div3A_356, %sub3A_376 : i32
      %select_n3A_378 = arith.select %and3A_375, %sub3A_377, %div3A_356 : i32
      %mul3A_379 = arith.constant 4 : i32
      %mul3A_380 = arith.muli %add3A, %mul3A_379 : i32
      %add3A_381 = arith.addi %select_n3A_378, %mul3A_380 : i32
      %dma_start3A_382 = arith.constant 0 : i32
      %dma_start3A_383 = arith.constant 0 : i32
      %dma_start3A_384 = arith.constant 0 : i32
      %dma_start3A_385 = tpu.memref_slice %arg4[%select_n3A_334, %dma_start3A_382, %add3A_381, %dma_start3A_383, %dma_start3A_384] : memref<200x8x128x8x128xf32, #tpu.memory_space<hbm>> -> memref<1x8x2x8x128xf32, #tpu.memory_space<hbm>>
      %dma_start3A_386 = tpu.memref_squeeze %dma_start3A_385 : memref<1x8x2x8x128xf32, #tpu.memory_space<hbm>> -> memref<8x2x8x128xf32, #tpu.memory_space<hbm>>
      %dma_start3A_387 = arith.constant 0 : i32
      %dma_start3A_388 = arith.constant 0 : i32
      %dma_start3A_389 = arith.constant 0 : i32
      %dma_start3A_390 = tpu.memref_slice %arg4[%select_n3A_334, %dma_start3A_387, %add3A_381, %dma_start3A_388, %dma_start3A_389] : memref<200x8x128x8x128xf32, #tpu.memory_space<hbm>> -> memref<1x8x2x8x128xf32, #tpu.memory_space<hbm>>
      %dma_start3A_391 = tpu.memref_squeeze %dma_start3A_390 : memref<1x8x2x8x128xf32, #tpu.memory_space<hbm>> -> memref<8x2x8x128xf32, #tpu.memory_space<hbm>>
      tpu.enqueue_dma source(%arg10 : memref<8x2x8x128xf32, #tpu.memory_space<vmem>>) target(%dma_start3A_391 : memref<8x2x8x128xf32, #tpu.memory_space<hbm>>) target_semaphore(%arg16 : memref<!tpu.dma_semaphore, #tpu.memory_space<semaphore_mem>>)
    }
    %scan3A_151 = arith.constant 200 : i32
    %dma_wait3A_152 = arith.constant 0 : i32
    %dma_wait3A_153 = arith.constant 0 : i32
    %dma_wait3A_154 = arith.constant 0 : i32
    %dma_wait3A_155 = arith.constant 0 : i32
    %dma_wait3A_156 = arith.constant 0 : i32
    %dma_wait3A_157 = tpu.memref_slice %arg4[%dma_wait3A_152, %dma_wait3A_153, %dma_wait3A_154, %dma_wait3A_155, %dma_wait3A_156] : memref<200x8x128x8x128xf32, #tpu.memory_space<hbm>> -> memref<1x8x2x8x128xf32, #tpu.memory_space<hbm>>
    %dma_wait3A_158 = tpu.memref_squeeze %dma_wait3A_157 : memref<1x8x2x8x128xf32, #tpu.memory_space<hbm>> -> memref<8x2x8x128xf32, #tpu.memory_space<hbm>>
    %dma_wait3A_159 = arith.constant 0 : i32
    %dma_wait3A_160 = arith.constant 0 : i32
    %dma_wait3A_161 = arith.constant 0 : i32
    %dma_wait3A_162 = arith.constant 0 : i32
    %dma_wait3A_163 = tpu.memref_slice %arg4[%dma_wait3A_152, %dma_wait3A_159, %dma_wait3A_160, %dma_wait3A_161, %dma_wait3A_162] : memref<200x8x128x8x128xf32, #tpu.memory_space<hbm>> -> memref<1x8x2x8x128xf32, #tpu.memory_space<hbm>>
    %dma_wait3A_164 = tpu.memref_squeeze %dma_wait3A_163 : memref<1x8x2x8x128xf32, #tpu.memory_space<hbm>> -> memref<8x2x8x128xf32, #tpu.memory_space<hbm>>
    tpu.wait_dma2 semaphore(%arg15 : memref<!tpu.dma_semaphore, #tpu.memory_space<semaphore_mem>>) src(%arg9 : memref<8x2x8x128xf32, #tpu.memory_space<vmem>>) dst(%dma_wait3A_164 : memref<8x2x8x128xf32, #tpu.memory_space<hbm>>)
    %dma_wait3A_165 = arith.constant 0 : i32
    %dma_wait3A_166 = arith.constant 0 : i32
    %dma_wait3A_167 = arith.constant 0 : i32
    %dma_wait3A_168 = arith.constant 0 : i32
    %dma_wait3A_169 = arith.constant 0 : i32
    %dma_wait3A_170 = tpu.memref_slice %arg4[%dma_wait3A_165, %dma_wait3A_166, %dma_wait3A_167, %dma_wait3A_168, %dma_wait3A_169] : memref<200x8x128x8x128xf32, #tpu.memory_space<hbm>> -> memref<1x8x2x8x128xf32, #tpu.memory_space<hbm>>
    %dma_wait3A_171 = tpu.memref_squeeze %dma_wait3A_170 : memref<1x8x2x8x128xf32, #tpu.memory_space<hbm>> -> memref<8x2x8x128xf32, #tpu.memory_space<hbm>>
    %dma_wait3A_172 = arith.constant 0 : i32
    %dma_wait3A_173 = arith.constant 0 : i32
    %dma_wait3A_174 = arith.constant 0 : i32
    %dma_wait3A_175 = arith.constant 0 : i32
    %dma_wait3A_176 = tpu.memref_slice %arg4[%dma_wait3A_165, %dma_wait3A_172, %dma_wait3A_173, %dma_wait3A_174, %dma_wait3A_175] : memref<200x8x128x8x128xf32, #tpu.memory_space<hbm>> -> memref<1x8x2x8x128xf32, #tpu.memory_space<hbm>>
    %dma_wait3A_177 = tpu.memref_squeeze %dma_wait3A_176 : memref<1x8x2x8x128xf32, #tpu.memory_space<hbm>> -> memref<8x2x8x128xf32, #tpu.memory_space<hbm>>
    tpu.wait_dma2 semaphore(%arg16 : memref<!tpu.dma_semaphore, #tpu.memory_space<semaphore_mem>>) src(%arg10 : memref<8x2x8x128xf32, #tpu.memory_space<vmem>>) dst(%dma_wait3A_177 : memref<8x2x8x128xf32, #tpu.memory_space<hbm>>)
    return
  }
}

</mosaic_0001>

<sc_bundles>
// kernel: _sc_gather_t.3.cloned.1.call-start
scs
__scs_entry_jumppad:
0x0: {  	(pc) =	sbr.rel $0x88, $3  }
0x1: {  	(tag) =	ssettag $0x0;
	lr =	simm.s32 $0x1  }
0x2: {  	[smem:$0x3F9F] =	sst lr;
	_ =	strace $0xD0000000  }
0x3: {  	_ = 	snop  }
0x4: {  	_ = 	snop  }
0x5: {  	_ = 	snop  }
0x6: {  	_ = 	snop  }
0x7: {  	_ = 	snop  }
__scs_overlays_trampoline_lowered:
0x8: {  	[smem:$0x3FAE] =	sst s0  }
0x9: {  	[smem:$0x3FAF] =	sst s1  }
0xa: {  	[smem:$0x3FB0] =	sst s2  }
0xb: {  	[smem:$0x3FB1] =	sst s3  }
0xc: {  	[smem:$0x3FB2] =	sst s4  }
0xd: {  	[smem:$0x3FB3] =	sst s5  }
0xe: {  	[smem:$0x3FB4] =	sst s6  }
0xf: {  	[smem:$0x3FB5] =	sst s7  }
0x10: {  	[smem:$0x3FB6] =	sst s8  }
0x11: {  	[smem:$0x3FB7] =	sst s9;
	s0 =	simm.s32 @!p0 $0x0  }
0x12: {  	s1 =	sld [smem:$0x3F9D];
	s0 =	simm.s32 @p0 $0x1  }
0x13: {  	[smem:$0x3FB8] =	sst s0;
	s0 =	simm.s32 @!p1 $0x0  }
0x14: {  	s2 =	sld [smem:$0x3F9C];
	s0 =	simm.s32 @p1 $0x1  }
0x15: {  	[smem:$0x3FB9] =	sst s0;
	s0 =	simm.s32 @!p2 $0x0  }
0x16: {  	s3 =	sld [smem:$0x3FDB];
	s0 =	simm.s32 @p2 $0x1  }
0x17: {  	s4 =	simm.s32 $0x1BF5;
	[smem:$0x3FBB] =	sst s0  }
0x18: {  	s0 =	sld [smem:$0x3F9E];
	_ =	swait.ge [sflag:s4], $0x0  }
0x19: {  	s7 =	sld [smem:$0x3F9F]  }
0x1a: {  	s8 =	sadd.s32 $0xFFFFE003, lr  }
0x1b: {  	s9 =	sadd.s32 $0xFFFFFEF7, lr;
	s5 =	simm.s32 $0xFFFFFFFF;
	p2 =	slt.u32 s8, $0xFFFFF086  }
0x1c: {  	p1 =	slt.u32 s9, $0xF7A;
	s5 =	simm.s32 @!p2 $0x0  }
0x1d: {  	s5 =	simm.s32 @p1 $0x1;
	p0 =	seq.s32 s7, s2  }
0x1e: {  	s7 =	smul.u32 @!p0 $0xF7A, s2;
	p2 =	seq.s32 @!p0 s5, $0x0  }
0x1f: {  	s9 =	smul.u32 $0xF7A, s1;
	s8 =	simm.s32 @!p0 $0x1BF5;
	p2 =	por !p2, p0  }
0x20: {  	[sflag:s8] =	ssyncset.s32 @!p0 $0xFFFFF086;
	s6 =	sadd.s32 @!p0 s3, s7;
	s7 =	simm.s32 @!p0 $0x108  }
0x21: {  	s3 =	sadd.s32 s3, s9;
	s6 =	sadd.s32 @!p0 $0x88, s6;
	s7 =	simm.s32 @p2 $0x1082  }
0x22: {  	[simem:s7], [sflag:s8] =	dma.local @!p0 [hbm:s6], $0xF7A  }
0x23: {  	s9 =	sor.u32 $0xD0000000, s2;
	s6 =	simm.s32 $0x108;
	_ =	swait.ge @!p0 [sflag:s8], $0x0  }
0x24: {  	s3 =	sadd.s32 $0x88, s3;
	s6 =	simm.s32 @!p1 $0x1082;
	[sflag:s4] =	ssyncset.s32 $0xFFFFF086  }
0x25: {  	[simem:s6], [sflag:s4] =	dma.local [hbm:s3], $0xF7A  }
0x26: {  	[smem:$0x3F9F] =	sst s1;
	(tag) =	ssettag s2;
	_ =	strace s9  }
0x27: {  	s1 =	sld [smem:$0x3FAF]  }
0x28: {  	s2 =	sld [smem:$0x3FB0]  }
0x29: {  	s4 =	sld [smem:$0x3FB2]  }
0x2a: {  	p0 =	seq.s32 s5, $0x0;
	s5 =	sld [smem:$0x3FB3]  }
0x2b: {  	s6 =	sld [smem:$0x3FB4]  }
0x2c: {  	s7 =	sld [smem:$0x3FB5]  }
0x2d: {  	s3 =	simm.s32 $0x108;
	s8 =	sld [smem:$0x3FB6]  }
0x2e: {  	s3 =	simm.s32 @!p0 $0x1082;
	s9 =	sld [smem:$0x3FB7]  }
0x2f: {  	lr =	sadd.s32 s0, s3;
	s0 =	sld [smem:$0x3FAE]  }
0x30: {  	s3 =	sld [smem:$0x3FB1]  }
0x31: {  	[smem:$0x3FBA] =	sst s10  }
0x32: {  	s10 =	sld [smem:$0x3FB8];
	_ =	sdelay $0x3  }
0x33: {  	p0 =	seq.s32 s10, $0x1;
	s10 =	sld [smem:$0x3FBA];
	_ =	sdelay $0x3  }
0x34: {  	[smem:$0x3FBA] =	sst s10  }
0x35: {  	s10 =	sld [smem:$0x3FB9];
	_ =	sdelay $0x3  }
0x36: {  	p1 =	seq.s32 s10, $0x1;
	s10 =	sld [smem:$0x3FBA];
	_ =	sdelay $0x3  }
0x37: {  	[smem:$0x3FBA] =	sst s10  }
0x38: {  	s10 =	sld [smem:$0x3FBB]  }
0x39: {  	_ = 	snop;
	(pc) =	sbr.ind lr, $3  }
0x3a: {  	_ = 	snop  }
0x3b: {  	_ = 	snop  }
0x3c: {  	p2 =	seq.s32 s10, $0x1;
	s10 =	sld [smem:$0x3FBA]  }
0x3d: {  	_ =	shalt  }
0x3e: {  	_ =	shalt  }
0x3f: {  	_ =	shalt  }
0x40: {  	_ =	shalt  }
0x41: {  	_ =	shalt  }
0x42: {  	_ =	shalt  }
0x43: {  	_ =	shalt  }
0x44: {  	_ =	shalt  }
0x45: {  	_ =	shalt  }
0x46: {  	_ =	shalt  }
0x47: {  	_ =	shalt  }
0x48: {  	_ =	shalt  }
0x49: {  	_ =	shalt  }
0x4a: {  	_ =	shalt  }
0x4b: {  	_ =	shalt  }
0x4c: {  	_ =	shalt  }
0x4d: {  	_ =	shalt  }
0x4e: {  	_ =	shalt  }
0x4f: {  	_ =	shalt  }
0x50: {  	_ =	shalt  }
0x51: {  	_ =	shalt  }
0x52: {  	_ =	shalt  }
0x53: {  	_ =	shalt  }
0x54: {  	_ =	shalt  }
0x55: {  	_ =	shalt  }
0x56: {  	_ =	shalt  }
0x57: {  	_ =	shalt  }
0x58: {  	_ =	shalt  }
0x59: {  	_ =	shalt  }
0x5a: {  	_ =	shalt  }
0x5b: {  	_ =	shalt  }
0x5c: {  	_ =	shalt  }
0x5d: {  	_ =	shalt  }
0x5e: {  	_ =	shalt  }
0x5f: {  	_ =	shalt  }
0x60: {  	_ =	shalt  }
0x61: {  	_ =	shalt  }
0x62: {  	_ =	shalt  }
0x63: {  	_ =	shalt  }
0x64: {  	_ =	shalt  }
0x65: {  	_ =	shalt  }
0x66: {  	_ =	shalt  }
0x67: {  	_ =	shalt  }
0x68: {  	_ =	shalt  }
0x69: {  	_ =	shalt  }
0x6a: {  	_ =	shalt  }
0x6b: {  	_ =	shalt  }
0x6c: {  	_ =	shalt  }
0x6d: {  	_ =	shalt  }
0x6e: {  	_ =	shalt  }
0x6f: {  	_ =	shalt  }
0x70: {  	_ =	shalt  }
0x71: {  	_ =	shalt  }
0x72: {  	_ =	shalt  }
0x73: {  	_ =	shalt  }
0x74: {  	_ =	shalt  }
0x75: {  	_ =	shalt  }
0x76: {  	_ =	shalt  }
0x77: {  	_ =	shalt  }
0x78: {  	_ =	shalt  }
0x79: {  	_ =	shalt  }
0x7a: {  	_ =	shalt  }
0x7b: {  	_ =	shalt  }
0x7c: {  	_ =	shalt  }
0x7d: {  	_ =	shalt  }
0x7e: {  	_ =	shalt  }
0x7f: {  	_ =	shalt  }
0x80: {  	_ =	shalt  }
0x81: {  	_ =	shalt  }
0x82: {  	_ =	shalt  }
0x83: {  	_ =	shalt  }
0x84: {  	_ =	shalt  }
0x85: {  	_ =	shalt  }
0x86: {  	_ =	shalt  }
0x87: {  	_ =	shalt  }
.Lfunc_end0:
.L_simem_size_0:
called_computation_lowered:
.L_overlay_start_0:
0x88: {  	s2 =	sld [smem:$0x3FD9]  }
0x89: {  	s3 =	sld [smem:$0x3FFE];
	_ =	sdelay $0x1  }
0x8a: {  	s1 =	srdreg.scid  }
0x8b: {  	s0 =	sand.u32 $0x1, s1  }
0x8c: {  	s17 =	sshll.u32 s0, $0xA;
	s2 =	sadd.s32 s3, s2  }
0x8d: {  	s2 =	sadd.s32 s2, s17  }
0x8e: {  	[smem:$0x3FC6] =	sst s2  }
0x8f: {  	_ = 	snop  }
0x90: {  	s2 =	sld [smem:$0x3FD0];
	(tm) =	ssettm $0x1  }
0x91: {  	s18 =	sld [smem:$0x3FFB];
	_ =	sdelay $0x3  }
0x92: {  	_ =	strace s18  }
0x93: {  	s3 =	sld [smem:$0x3FFC];
	_ =	sdelay $0x3  }
0x94: {  	_ =	strace s3  }
0x95: {  	s3 =	sld [smem:$0x3FFD];
	_ =	sdelay $0x3  }
0x96: {  	_ =	strace s3  }
0x97: {  	_ =	strace $0x8FFFFFFF  }
0x98: {  	s19 =	sld [smem:$0x3FDB];
	_ =	sdelay $0x1  }
0x99: {  	s4 =	simm.s32 $_scs_section_size  }
0x9a: {  	s5 =	simm.s32 $_size__tile_overlayer_lowered;
	s6 =	simm.s32 $_tile_overlayer_lowered  }
0x9b: {  	s22 =	simm.s32 $0x1BFF;
	s21 =	sshll.u32 s6, $0x1;
	s3 =	sadd.s32 s4, s19  }
0x9c: {  	s7 =	simm.s32 $0x0;
	s20 =	sshll.u32 s5, $0x1;
	s5 =	sadd.s32 s21, s3  }
0x9d: {  	[timem:s7], [sflag:s22] =	dma.local [hbm:s5], s20  }
0x9e: {  	_ =	swait.ge [sflag:s22], s20  }
0x9f: {  	s4 =	ssub.s32 $0x0, s20;
	[sflag:s22] =	ssyncset.done $0x0  }
0xa0: {  	[sflag:s22] =	ssyncadd.s32 s4;
	_ =	sdelay $0x1  }
0xa1: {  	s23 =	simm.s32 $0x1B8B  }
0xa2: {  	_ =	swait.ge [sflag:s23], $0x1  }
0xa3: {  	[sflag:s23] =	ssyncset.done $0x0  }
0xa4: {  	s25 =	simm.s32 $0x1B8E;
	s24 =	sld [smem:$0x3FFE];
	[sflag:s23] =	ssyncadd.s32 $0xFFFFFFFF  }
0xa5: {  	s26 =	simm.s32 $execute0_lowered;
	[smem:$0x3FD2] =	sst s25  }
0xa6: {  	s5 =	sshll.u32 s26, $0x1;
	_ =	strace $0x80000046;
	[dreg:$0x1] =	wrdreg $0xFFFFFFFF  }
0xa7: {  	s28 =	simm.s32 $_size_execute0_lowered;
	s3 =	sadd.s32 s3, s5;
	[dreg:$0x0] =	wrdreg $0x0  }
0xa8: {  	s5 =	sshll.u32 s28, $0x1;
	[dreg:$0x2] =	wrdreg s3  }
0xa9: {  	[dreg:$0x3] =	wrdreg s5  }
0xaa: {  	[dreg:$0x4] =	wrdreg $0xC0  }
0xab: {  	_ =	task [dreg:s7], $0x5FFFF  }
0xac: {  	[dreg:$0x1] =	wrdreg $0xFFFFFFFF  }
0xad: {  	[dreg:$0x0] =	wrdreg $0x60  }
0xae: {  	[dreg:$0x2] =	wrdreg s24  }
0xaf: {  	[dreg:$0x3] =	wrdreg s2  }
0xb0: {  	[dreg:$0x4] =	wrdreg $0x9  }
0xb1: {  	_ =	task.clear_ibuf [dreg:s7], $0x5FFFF;
	_ =	strace $0x90000046  }
0xb2: {  	s29 =	simm.s32 $0x9;
	_ =	strace $0x80000048  }
0xb3: {  	_ =	swait.ge [sflag:s29], $0x1  }
0xb4: {  	[sflag:s29] =	ssyncadd.s32 $0xFFFFFFFF  }
0xb5: {  	_ =	strace $0x90000048  }
0xb6: {  	_ =	sfence  }
0xb7: {  	s30 =	sld [smem:$0x0];
	_ =	sdelay $0x2  }
0xb8: {  	s31 =	sshll.u32 s1, $0xD;
	s1 =	sshrl.u32 s1, $0x2  }
0xb9: {  	s3 =	sand.u32 $0x4000, s31;
	s1 =	sadd.s32 s1, s30  }
0xba: {  	s0 =	sor.u32 s3, s0;
	s1 =	sshll.u32 s1, $0x11  }
0xbb: {  	s0 =	sor.u32 s1, s0  }
0xbc: {  	s0 =	sadd.s32 $0x8F2B, s0  }
0xbd: {  	[sflag:s0] =	ssyncadd.remote.s32 $0x1  }
0xbe: {  	_ =	sfence.sel $0xFFFF  }
0xbf: {  	[dreg:$0x0] =	wrdreg $0xFFFFFFFF;
	(pc) =	sbr.abs _section_cstart, $3  }
0xc0: {  	[dreg:$0x1] =	wrdreg $0xFFFFFFFF  }
0xc1: {  	_ =	task.clear_ibuf [dreg:s7], $0x2FFFF;
	_ =	strace $0x9FFFFFFF  }
0xc2: {  	(tm) =	ssettm $0x7FFFFFFF  }
0xc3: {  	_ =	shalt  }
tec
execute0_lowered:
.L_overlay_start_1:
0x0: {  	(tag) =	ssettag $0x1  }
0x1: {  	s4 =	rddreg [dreg:$0x0]  }
0x2: {  	s7 =	rddreg [dreg:$0x1]  }
0x3: {  	v0 =	vlaneseq.u32;
	s2 =	simm.s32 $0x0;
	s3 =	srdreg.scid;
	s1 =	stileid.u32  }
0x4: {  	s12 =	simm.s32 $0x100;
	s13 =	simm.s32 $0x1;
	s14 =	simm.s32 $0x200;
	v1 =	vmul.u32 $0x40, v0  }
0x5: {  	s15 =	simm.s32 $0x3;
	s16 =	simm.s32 $0x2;
	s17 =	simm.s32 $0x4200;
	v17 =	vor.u32 $0x10, v0;
	v18 =	vor.u32 $0x20, v0;
	v19 =	vor.u32 $0x30, v0  }
0x6: {  	s18 =	simm.s32 $0x8200;
	s19 =	simm.s32 $0x800;
	s20 =	simm.s32 $0x20000;
	v20 =	vor.u32 $0x40, v0;
	v21 =	vor.u32 $0x50, v0;
	v22 =	vor.u32 $0x60, v0  }
0x7: {  	s21 =	simm.s32 $0x4;
	s22 =	simm.s32 $0xC200;
	s23 =	simm.s32 $0x5;
	v23 =	vor.u32 $0x70, v0;
	v24 =	vor.u32 $0x400, v0;
	v25 =	vor.u32 $0x410, v0  }
0x8: {  	s24 =	simm.s32 $0x6;
	s25 =	simm.s32 $0x0;
	[smem:$0x7FF] =	sst s2;
	v26 =	vor.u32 $0x420, v0;
	v27 =	vor.u32 $0x430, v0;
	v28 =	vor.u32 $0x440, v0  }
0x9: {  	s5 =	sand.u32 $0x1, s3;
	s6 =	sshll.u32 s1, $0x1;
	s3 =	sadd.s32 $0x400, s4;
	v29 =	vor.u32 $0x450, v0;
	v30 =	vor.u32 $0x460, v0;
	v31 =	vor.u32 $0x470, v0  }
0xa: {  	s4 =	sadd.s32 $0x64400, s4;
	s6 =	sor.u32 s5, s6;
	s8 =	ssub.s32 $0x2, s5;
	v2 =	vor.u32 $0x400, v1;
	v3 =	vor.u32 $0x800, v1;
	v4 =	vor.u32 $0xC00, v1  }
0xb: {  	_ =	strace $0x80000047;
	s31 =	sshll.u32 s6, $0x6;
	v5 =	vor.u32 $0x1000, v1;
	v6 =	vor.u32 $0x1400, v1;
	v7 =	vor.u32 $0x1800, v1;
	s9 =	sshrl.u32 s8, $0x1  }
0xc: {  	s10 =	sshll.u32 s6, $0x9;
	v8 =	vor.u32 $0x1C00, v1;
	v9 =	vor.u32 $0x2000, v1;
	v10 =	vor.u32 $0x2400, v1;
	s5 =	sadd.s32 s3, s31;
	s11 =	ssub.s32 s8, s9  }
0xd: {  	v11 =	vor.u32 $0x2800, v1;
	v12 =	vor.u32 $0x2C00, v1;
	v13 =	vor.u32 $0x3000, v1;
	s7 =	sadd.s32 s7, s10;
	s8 =	sor.u32 $0x4000, s10;
	s9 =	sor.u32 $0x4100, s10  }
0xe: {  	v14 =	vor.u32 $0x3400, v1;
	v15 =	vor.u32 $0x3800, v1;
	v16 =	vor.u32 $0x3C00, v1;
	s6 =	sadd.s32 $0x20, s5;
	s10 =	sadd.s32 $0x100, s7;
	s11 =	smax.u32 s11, $0x1  }
.LBB2_1:
0xf: {  	[tilespmem:s2], [sflag:$0x1] =	stream.linear.gather [hbm4b:s5+s2], $0x100, $0x38;
	[tilespmem:$0x10200] =	vst v63  }
0x10: {  	_ = 	snop  }
0x11: {  	[tilespmem:s12], [sflag:$0x2] =	stream.linear.gather [hbm4b:s6+s2], $0x100, $0x38;
	[tilespmem:$0x10200] =	vst v63  }
0x12: {  	_ =	swait.ge [sflag:s13], $0x100  }
0x13: {  	[sflag:s13] =	ssyncset.done $0x0  }
0x14: {  	s26 =	simm.s32 $0x0;
	[sflag:s13] =	ssyncadd.s32 $0xFFFFFF00  }
0x15: {  	[tilespmem:s14], [sflag:$0x3] =	stream.indirect.gather [hbm4b:s4+s12], $0x40, s2, s12, $0xb8;
	[tilespmem:$0x10200] =	vst v63  }
.LBB2_2:
0x16: {  	p0 =	seq.s32 s26, $0xC7  }
0x17: {  	s29 =	sshll.u32 @!p0 s26, $0xE  }
0x18: {  	_ =	swait.ge [sflag:s15], $0x4000;
	s30 =	simm.s32 $0x0;
	s28 =	sadd.s32 @!p0 s8, s29  }
0x19: {  	[sflag:s15] =	ssyncset.done $0x0;
	s31 =	simm.s32 @!p0 $0x0;
	s28 =	sshrl.u32 @!p0 s28, $0x3  }
0x1a: {  	s0 =	sand.u32 $0xF, s30;
	[sflag:s15] =	ssyncadd.s32 $0xFFFFC000;
	s28 =	sadd.s32 @!p0 s3, s28  }
0x1b: {  	v34 =	vadd.s32 s0, v0;
	[tilespmem:s31], [sflag:$0x1] =	stream.linear.gather @!p0 [hbm4b:s28+s31], $0x100, $0x38;
	[tilespmem:$0x10200] =	vst v63  }
0x1c: {  	v32 =	vand.u32 $0xF, v34;
	s31 =	sand.u32 $0x30, s30  }
0x1d: {  	v37 =	vor.u32 s31, v32  }
0x1e: {  	v33 =	vand.u32 $0x7, v34;
	_ =	swait.ge [sflag:s16], $0x100;
	v32 =	vand.u32 $0x38, v37  }
0x1f: {  	p1 =	seq.s32 s26, $0x0;
	[sflag:s16] =	ssyncset.done $0x0;
	v40 =	vor.u32 v33, v32  }
0x20: {  	s0 =	simm.s32 @!p1 $0x5;
	[sflag:s16] =	ssyncadd.s32 $0xFFFFFF00;
	v32 =	vor.u32 v14, v40  }
0x21: {  	[tilespmem:s17], [sflag:$0x4] =	stream.indirect.gather [hbm4b:s4+s12], $0x40, s12, s12, $0xb8;
	v33 =	vor.u32 v2, v40;
	[tilespmem:$0x10200] =	vst v63  }
0x22: {  	v35 =	vor.u32 v7, v40;
	_ =	swait.ge @!p1 [sflag:s0], $0x4000  }
0x23: {  	v36 =	vor.u32 v10, v40;
	[sflag:s0] =	ssyncset.done @!p1 $0x0  }
0x24: {  	v38 =	vor.u32 v16, v40;
	[sflag:s0] =	ssyncadd.s32 @!p1 $0xFFFFC000  }
0x25: {  	v42 =	vor.u32 v9, v40;
	v32 =	vld.idx.msk [tilespmem:v32+s14+$0x0], $0xffff  }
0x26: {  	v43 =	vor.u32 v4, v40;
	v41 =	vld.idx.msk [tilespmem:v33+s14+$0x0], $0xffff  }
0x27: {  	v44 =	vor.u32 v12, v40;
	v39 =	vld.idx.msk [tilespmem:v35+s14+$0x0], $0xffff  }
0x28: {  	v45 =	vor.u32 v15, v40;
	v35 =	vld.idx.msk [tilespmem:v36+s14+$0x0], $0xffff  }
0x29: {  	v46 =	vor.u32 v13, v40;
	v33 =	vld.idx.msk [tilespmem:v38+s14+$0x0], $0xffff  }
0x2a: {  	v47 =	vor.u32 v1, v40;
	v38 =	vld.idx.msk [tilespmem:v42+s14+$0x0], $0xffff  }
0x2b: {  	v60 =	vor.u32 v3, v40;
	v43 =	vld.idx.msk [tilespmem:v43+s14+$0x0], $0xffff  }
0x2c: {  	v61 =	vshll.u32 v34, $0x7;
	v37 =	vshll.u32 v37, $0x8;
	v49 =	vor.u32 v5, v40;
	v36 =	vld.idx.msk [tilespmem:v44+s14+$0x0], $0xffff  }
0x2d: {  	v62 =	vand.u32 $0x3800, v37;
	v57 =	vor.u32 v11, v40;
	v34 =	vld.idx.msk [tilespmem:v45+s14+$0x0], $0xffff;
	v44 =	vand.u32 $0x380, v61  }
0x2e: {  	v48 =	vor.u32 v8, v40;
	v63 =	vor.u32 v6, v40;
	v37 =	vld.idx.msk [tilespmem:v46+s14+$0x0], $0xffff;
	v40 =	vor.u32 v44, v62  }
0x2f: {  	v58 =	vld.idx.msk [tilespmem:v47+s14+$0x0], $0xffff;
	v59 =	vor.u32 v0, v40  }
0x30: {  	v56 =	vld.idx.msk [tilespmem:v60+s14+$0x0], $0xffff  }
0x31: {  	v55 =	vld.idx.msk [tilespmem:v49+s14+$0x0], $0xffff;
	v54 =	vor.u32 v17, v40;
	v53 =	vor.u32 v18, v40  }
0x32: {  	v42 =	vld.idx.msk [tilespmem:v57+s14+$0x0], $0xffff;
	v52 =	vor.u32 v19, v40;
	v51 =	vor.u32 v20, v40;
	v50 =	vor.u32 v21, v40  }
0x33: {  	v57 =	vld.idx.msk [tilespmem:v63+s14+$0x0], $0xffff;
	v49 =	vor.u32 v22, v40;
	v47 =	vor.u32 v23, v40;
	v45 =	vor.u32 v24, v40  }
0x34: {  	s28 =	simm.s32 $0x1;
	s30 =	simm.s32 $0x2;
	v44 =	vld.idx.msk [tilespmem:v48+s14+$0x0], $0xffff;
	v48 =	vor.u32 v25, v40;
	v46 =	vor.u32 v26, v40;
	[tilespmem:v59+s18+$0x0] =	vst.idx.msk $0xffff, v58  }
.LBB2_3:
0x35: {  	p1 =	sne.s32 s30, $0x3F  }
0x36: {  	s0 =	sand.u32 $0xF, s28;
	[tilespmem:v54+s18+$0x0] =	vst.idx.msk $0xffff, v41;
	s31 =	smov.u32 s30;
	s30 =	sadd.s32 $0x1, s30  }
0x37: {  	v41 =	vadd.s32 s0, v0;
	[tilespmem:v53+s18+$0x0] =	vst.idx.msk $0xffff, v56;
	v53 =	vor.u32 v31, v40  }
0x38: {  	s0 =	sand.u32 $0x30, s28;
	s28 =	smov.u32 s31;
	v54 =	vand.u32 $0xF, v41;
	v56 =	vshll.u32 v41, $0x7;
	[tilespmem:v52+s18+$0x0] =	vst.idx.msk $0xffff, v43;
	v43 =	vor.u32 v30, v40  }
0x39: {  	v52 =	vor.u32 s0, v54;
	[tilespmem:v51+s18+$0x0] =	vst.idx.msk $0xffff, v55;
	v51 =	vor.u32 v28, v40;
	v54 =	vor.u32 v29, v40  }
0x3a: {  	v41 =	vand.u32 $0x7, v41;
	v55 =	vand.u32 $0x38, v52;
	v52 =	vshll.u32 v52, $0x8;
	[tilespmem:v50+s18+$0x0] =	vst.idx.msk $0xffff, v57  }
0x3b: {  	v41 =	vor.u32 v41, v55;
	v50 =	vand.u32 $0x3800, v52;
	[tilespmem:v49+s18+$0x0] =	vst.idx.msk $0xffff, v39;
	v39 =	vor.u32 v27, v40  }
0x3c: {  	v55 =	vor.u32 v1, v41;
	v40 =	vor.u32 v2, v41;
	[tilespmem:v47+s18+$0x0] =	vst.idx.msk $0xffff, v44  }
0x3d: {  	v44 =	vor.u32 v4, v41;
	v57 =	vor.u32 v5, v41;
	[tilespmem:v45+s18+$0x0] =	vst.idx.msk $0xffff, v38  }
0x3e: {  	v58 =	vor.u32 v8, v41;
	v38 =	vor.u32 v7, v41;
	[tilespmem:v48+s18+$0x0] =	vst.idx.msk $0xffff, v35  }
0x3f: {  	v35 =	vor.u32 v10, v41;
	v48 =	vor.u32 v11, v41;
	[tilespmem:v46+s18+$0x0] =	vst.idx.msk $0xffff, v42  }
0x40: {  	v45 =	vor.u32 v14, v41;
	v42 =	vor.u32 v13, v41;
	[tilespmem:v39+s18+$0x0] =	vst.idx.msk $0xffff, v36  }
0x41: {  	v46 =	vor.u32 v15, v41;
	v36 =	vor.u32 v12, v41;
	[tilespmem:v51+s18+$0x0] =	vst.idx.msk $0xffff, v37  }
0x42: {  	v59 =	vor.u32 v6, v41;
	v37 =	vor.u32 v9, v41;
	[tilespmem:v54+s18+$0x0] =	vst.idx.msk $0xffff, v32  }
0x43: {  	v60 =	vor.u32 v3, v41;
	v47 =	vor.u32 v16, v41;
	[tilespmem:v43+s18+$0x0] =	vst.idx.msk $0xffff, v34  }
0x44: {  	[tilespmem:v53+s18+$0x0] =	vst.idx.msk $0xffff, v33  }
0x45: {  	v32 =	vld.idx.msk [tilespmem:v45+s14+$0x0], $0xffff  }
0x46: {  	v33 =	vand.u32 $0x380, v56;
	v41 =	vld.idx.msk [tilespmem:v40+s14+$0x0], $0xffff  }
0x47: {  	v40 =	vor.u32 v33, v50;
	v39 =	vld.idx.msk [tilespmem:v38+s14+$0x0], $0xffff  }
0x48: {  	v61 =	vor.u32 v0, v40;
	v35 =	vld.idx.msk [tilespmem:v35+s14+$0x0], $0xffff  }
0x49: {  	v54 =	vor.u32 v17, v40;
	v33 =	vld.idx.msk [tilespmem:v47+s14+$0x0], $0xffff  }
0x4a: {  	v53 =	vor.u32 v18, v40;
	v38 =	vld.idx.msk [tilespmem:v37+s14+$0x0], $0xffff  }
0x4b: {  	v52 =	vor.u32 v19, v40;
	v43 =	vld.idx.msk [tilespmem:v44+s14+$0x0], $0xffff  }
0x4c: {  	v51 =	vor.u32 v20, v40;
	v36 =	vld.idx.msk [tilespmem:v36+s14+$0x0], $0xffff  }
0x4d: {  	v50 =	vor.u32 v21, v40;
	v34 =	vld.idx.msk [tilespmem:v46+s14+$0x0], $0xffff  }
0x4e: {  	v49 =	vor.u32 v22, v40;
	v37 =	vld.idx.msk [tilespmem:v42+s14+$0x0], $0xffff  }
0x4f: {  	v47 =	vor.u32 v23, v40;
	v62 =	vld.idx.msk [tilespmem:v55+s14+$0x0], $0xffff  }
0x50: {  	v45 =	vor.u32 v24, v40;
	v56 =	vld.idx.msk [tilespmem:v60+s14+$0x0], $0xffff  }
.Ltmp0:
0x51: {  	v44 =	vld.idx.msk [tilespmem:v58+s14+$0x0], $0xffff;
	(pc) =	sbr.rel @p1 .LBB2_3-.Ltmp0, $4  }
0x52: {  	v55 =	vld.idx.msk [tilespmem:v57+s14+$0x0], $0xffff  }
0x53: {  	v42 =	vld.idx.msk [tilespmem:v48+s14+$0x0], $0xffff;
	v48 =	vor.u32 v25, v40  }
0x54: {  	v46 =	vor.u32 v26, v40;
	v57 =	vld.idx.msk [tilespmem:v59+s14+$0x0], $0xffff  }
0x55: {  	[tilespmem:v61+s18+$0x0] =	vst.idx.msk $0xffff, v62  }
0x56: {  	_ =	sdelay $0x3  }
0x57: {  	[tilespmem:v54+s18+$0x0] =	vst.idx.msk $0xffff, v41  }
0x58: {  	[tilespmem:v53+s18+$0x0] =	vst.idx.msk $0xffff, v56  }
0x59: {  	[tilespmem:v52+s18+$0x0] =	vst.idx.msk $0xffff, v43  }
0x5a: {  	[tilespmem:v51+s18+$0x0] =	vst.idx.msk $0xffff, v55  }
0x5b: {  	s0 =	sand.u32 $0xF, s28;
	[tilespmem:v50+s18+$0x0] =	vst.idx.msk $0xffff, v57  }
0x5c: {  	v41 =	vadd.s32 s0, v0;
	v55 =	vor.u32 v27, v40;
	[tilespmem:v49+s18+$0x0] =	vst.idx.msk $0xffff, v39  }
0x5d: {  	s31 =	sand.u32 $0x30, s28;
	v56 =	vand.u32 $0xF, v41;
	v57 =	vor.u32 v28, v40;
	[tilespmem:v47+s18+$0x0] =	vst.idx.msk $0xffff, v44  }
0x5e: {  	v58 =	vor.u32 v29, v40;
	v43 =	vor.u32 s31, v56;
	[tilespmem:v45+s18+$0x0] =	vst.idx.msk $0xffff, v38  }
0x5f: {  	v59 =	vor.u32 v30, v40;
	v61 =	vand.u32 $0x7, v41;
	v60 =	vand.u32 $0x38, v43;
	[tilespmem:v48+s18+$0x0] =	vst.idx.msk $0xffff, v35  }
0x60: {  	v62 =	vor.u32 v31, v40;
	v63 =	vor.u32 v61, v60;
	[tilespmem:v46+s18+$0x0] =	vst.idx.msk $0xffff, v42  }
0x61: {  	v46 =	vor.u32 v14, v63;
	[tilespmem:v55+s18+$0x0] =	vst.idx.msk $0xffff, v36  }
0x62: {  	v47 =	vor.u32 v2, v63;
	[tilespmem:v57+s18+$0x0] =	vst.idx.msk $0xffff, v37  }
0x63: {  	v48 =	vor.u32 v7, v63;
	[tilespmem:v58+s18+$0x0] =	vst.idx.msk $0xffff, v32  }
0x64: {  	v49 =	vor.u32 v10, v63;
	[tilespmem:v59+s18+$0x0] =	vst.idx.msk $0xffff, v34  }
0x65: {  	v50 =	vor.u32 v16, v63;
	[tilespmem:v62+s18+$0x0] =	vst.idx.msk $0xffff, v33  }
0x66: {  	v51 =	vor.u32 v9, v63;
	v35 =	vld.idx.msk [tilespmem:v46+s14+$0x0], $0xffff  }
0x67: {  	v52 =	vor.u32 v4, v63;
	v36 =	vld.idx.msk [tilespmem:v47+s14+$0x0], $0xffff  }
0x68: {  	v53 =	vor.u32 v12, v63;
	v37 =	vld.idx.msk [tilespmem:v48+s14+$0x0], $0xffff  }
0x69: {  	v54 =	vor.u32 v15, v63;
	v32 =	vld.idx.msk [tilespmem:v49+s14+$0x0], $0xffff  }
0x6a: {  	v55 =	vor.u32 v13, v63;
	v34 =	vld.idx.msk [tilespmem:v50+s14+$0x0], $0xffff  }
0x6b: {  	v45 =	vor.u32 v1, v63;
	v33 =	vld.idx.msk [tilespmem:v51+s14+$0x0], $0xffff  }
0x6c: {  	v56 =	vor.u32 v3, v63;
	v38 =	vld.idx.msk [tilespmem:v52+s14+$0x0], $0xffff  }
0x6d: {  	v41 =	vshll.u32 v41, $0x7;
	v43 =	vshll.u32 v43, $0x8;
	v40 =	vor.u32 v6, v63;
	v39 =	vld.idx.msk [tilespmem:v53+s14+$0x0], $0xffff  }
0x6e: {  	v41 =	vand.u32 $0x380, v41;
	v43 =	vand.u32 $0x3800, v43;
	v57 =	vor.u32 v5, v63;
	v42 =	vld.idx.msk [tilespmem:v54+s14+$0x0], $0xffff  }
0x6f: {  	v41 =	vor.u32 v41, v43;
	v58 =	vor.u32 v11, v63;
	v44 =	vld.idx.msk [tilespmem:v55+s14+$0x0], $0xffff  }
0x70: {  	v60 =	vor.u32 v0, v41;
	v47 =	vor.u32 v8, v63;
	v59 =	vld.idx.msk [tilespmem:v45+s14+$0x0], $0xffff  }
0x71: {  	v61 =	vor.u32 v17, v41;
	v46 =	vld.idx.msk [tilespmem:v56+s14+$0x0], $0xffff  }
0x72: {  	v62 =	vor.u32 v18, v41;
	v40 =	vld.idx.msk [tilespmem:v40+s14+$0x0], $0xffff  }
0x73: {  	v63 =	vor.u32 v19, v41;
	v48 =	vld.idx.msk [tilespmem:v57+s14+$0x0], $0xffff  }
0x74: {  	v57 =	vor.u32 v20, v41;
	v49 =	vld.idx.msk [tilespmem:v58+s14+$0x0], $0xffff  }
0x75: {  	v58 =	vor.u32 v21, v41;
	v47 =	vld.idx.msk [tilespmem:v47+s14+$0x0], $0xffff;
	[tilespmem:v60+s18+$0x0] =	vst.idx.msk $0xffff, v59  }
0x76: {  	v59 =	vor.u32 v22, v41;
	[tilespmem:v61+s18+$0x0] =	vst.idx.msk $0xffff, v36  }
0x77: {  	v60 =	vor.u32 v23, v41;
	[tilespmem:v62+s18+$0x0] =	vst.idx.msk $0xffff, v46  }
0x78: {  	v61 =	vor.u32 v24, v41;
	[tilespmem:v63+s18+$0x0] =	vst.idx.msk $0xffff, v38  }
0x79: {  	v62 =	vor.u32 v25, v41;
	[tilespmem:v57+s18+$0x0] =	vst.idx.msk $0xffff, v48  }
0x7a: {  	v63 =	vor.u32 v26, v41;
	[tilespmem:v58+s18+$0x0] =	vst.idx.msk $0xffff, v40  }
0x7b: {  	v48 =	vor.u32 v27, v41;
	[tilespmem:v59+s18+$0x0] =	vst.idx.msk $0xffff, v37  }
0x7c: {  	v50 =	vor.u32 v28, v41;
	[tilespmem:v60+s18+$0x0] =	vst.idx.msk $0xffff, v47  }
0x7d: {  	v51 =	vor.u32 v29, v41;
	[tilespmem:v61+s18+$0x0] =	vst.idx.msk $0xffff, v33  }
0x7e: {  	v52 =	vor.u32 v30, v41;
	[tilespmem:v62+s18+$0x0] =	vst.idx.msk $0xffff, v32  }
0x7f: {  	v53 =	vor.u32 v31, v41;
	[tilespmem:v63+s18+$0x0] =	vst.idx.msk $0xffff, v49  }
0x80: {  	[tilespmem:v48+s18+$0x0] =	vst.idx.msk $0xffff, v39  }
0x81: {  	[tilespmem:v50+s18+$0x0] =	vst.idx.msk $0xffff, v44  }
0x82: {  	[tilespmem:v51+s18+$0x0] =	vst.idx.msk $0xffff, v35  }
0x83: {  	s28 =	sshll.u32 s26, $0x11;
	[tilespmem:v52+s18+$0x0] =	vst.idx.msk $0xffff, v42  }
0x84: {  	s31 =	sadd.s32 s28, s7;
	[tilespmem:v53+s18+$0x0] =	vst.idx.msk $0xffff, v34  }
0x85: {  	[hbm4b:s31+s19] =	stream.strided.scatter [tilespmem:s18], [sflag:$0x5], $0x4000, s20, s19, $0x38;
	[tilespmem:$0x10200] =	vst v63  }
0x86: {  	s0 =	sadd.s32 @!p0 s9, s29;
	_ =	swait.ge [sflag:s21], $0x4000  }
0x87: {  	s30 =	simm.s32 @!p0 $0x100;
	s0 =	sshrl.u32 @!p0 s0, $0x3;
	[sflag:s21] =	ssyncset.done $0x0  }
0x88: {  	s29 =	simm.s32 @!p0 $0x0;
	s0 =	sadd.s32 @!p0 s3, s0;
	[sflag:s21] =	ssyncadd.s32 $0xFFFFC000  }
0x89: {  	[tilespmem:s30], [sflag:$0x2] =	stream.linear.gather @!p0 [hbm4b:s0+s29], $0x100, $0x38;
	[tilespmem:$0x10200] =	vst v63  }
0x8a: {  	s0 =	simm.s32 @!p0 $0x1  }
0x8b: {  	_ =	swait.ge @!p0 [sflag:s0], $0x100  }
0x8c: {  	[sflag:s0] =	ssyncset.done @!p0 $0x0  }
0x8d: {  	s31 =	simm.s32 $0x0;
	[sflag:s0] =	ssyncadd.s32 @!p0 $0xFFFFFF00;
	s0 =	simm.s32 @!p0 $0x200  }
0x8e: {  	[tilespmem:s0], [sflag:$0x3] =	stream.indirect.gather @!p0 [hbm4b:s4+s30], $0x40, s29, s30, $0xb8;
	[tilespmem:$0x10200] =	vst v63  }
0x8f: {  	s29 =	sand.u32 $0xF, s31  }
0x90: {  	v34 =	vadd.s32 s29, v0  }
0x91: {  	s0 =	sand.u32 $0x30, s31;
	v54 =	vand.u32 $0xF, v34  }
0x92: {  	v37 =	vor.u32 s0, v54  }
0x93: {  	v55 =	vand.u32 $0x7, v34;
	v32 =	vand.u32 $0x38, v37  }
0x94: {  	v40 =	vor.u32 v55, v32  }
0x95: {  	p1 =	seq.s32 @!p0 s26, $0x0;
	v32 =	vor.u32 v14, v40  }
0x96: {  	p0 =	por p0, !p1;
	v33 =	vor.u32 v2, v40  }
0x97: {  	_ =	swait.ge @p0 [sflag:s24], $0x4000;
	v56 =	vor.u32 v7, v40  }
0x98: {  	[sflag:s24] =	ssyncset.done @p0 $0x0;
	v57 =	vor.u32 v10, v40  }
0x99: {  	[sflag:s24] =	ssyncadd.s32 @p0 $0xFFFFC000;
	v58 =	vor.u32 v16, v40  }
0x9a: {  	v59 =	vor.u32 v9, v40;
	v32 =	vld.idx.msk [tilespmem:v32+s17+$0x0], $0xffff  }
0x9b: {  	v60 =	vor.u32 v4, v40;
	v41 =	vld.idx.msk [tilespmem:v33+s17+$0x0], $0xffff  }
0x9c: {  	v61 =	vor.u32 v12, v40;
	v39 =	vld.idx.msk [tilespmem:v56+s17+$0x0], $0xffff  }
0x9d: {  	v62 =	vor.u32 v15, v40;
	v35 =	vld.idx.msk [tilespmem:v57+s17+$0x0], $0xffff  }
0x9e: {  	v63 =	vor.u32 v13, v40;
	v33 =	vld.idx.msk [tilespmem:v58+s17+$0x0], $0xffff  }
0x9f: {  	v54 =	vor.u32 v1, v40;
	v38 =	vld.idx.msk [tilespmem:v59+s17+$0x0], $0xffff  }
0xa0: {  	v52 =	vor.u32 v3, v40;
	v43 =	vld.idx.msk [tilespmem:v60+s17+$0x0], $0xffff  }
0xa1: {  	v37 =	vshll.u32 v37, $0x8;
	v55 =	vshll.u32 v34, $0x7;
	v53 =	vor.u32 v8, v40;
	v36 =	vld.idx.msk [tilespmem:v61+s17+$0x0], $0xffff  }
0xa2: {  	v44 =	vand.u32 $0x380, v55;
	v60 =	vor.u32 v5, v40;
	v34 =	vld.idx.msk [tilespmem:v62+s17+$0x0], $0xffff;
	v61 =	vand.u32 $0x3800, v37  }
0xa3: {  	v62 =	vor.u32 v11, v40;
	v37 =	vld.idx.msk [tilespmem:v63+s17+$0x0], $0xffff;
	v63 =	vor.u32 v6, v40;
	v40 =	vor.u32 v44, v61  }
0xa4: {  	v58 =	vld.idx.msk [tilespmem:v54+s17+$0x0], $0xffff;
	v59 =	vor.u32 v0, v40  }
0xa5: {  	v56 =	vld.idx.msk [tilespmem:v52+s17+$0x0], $0xffff  }
0xa6: {  	v44 =	vld.idx.msk [tilespmem:v53+s17+$0x0], $0xffff;
	v54 =	vor.u32 v17, v40;
	v53 =	vor.u32 v18, v40  }
0xa7: {  	v52 =	vor.u32 v19, v40;
	v51 =	vor.u32 v20, v40;
	v50 =	vor.u32 v21, v40;
	v55 =	vld.idx.msk [tilespmem:v60+s17+$0x0], $0xffff  }
0xa8: {  	v49 =	vor.u32 v22, v40;
	v47 =	vor.u32 v23, v40;
	v45 =	vor.u32 v24, v40;
	v42 =	vld.idx.msk [tilespmem:v62+s17+$0x0], $0xffff  }
0xa9: {  	s30 =	simm.s32 $0x2;
	s29 =	simm.s32 $0x1;
	v48 =	vor.u32 v25, v40;
	v46 =	vor.u32 v26, v40;
	v57 =	vld.idx.msk [tilespmem:v63+s17+$0x0], $0xffff;
	[tilespmem:v59+s22+$0x0] =	vst.idx.msk $0xffff, v58  }
.LBB2_5:
0xaa: {  	p0 =	sne.s32 s30, $0x3F  }
0xab: {  	s0 =	sand.u32 $0xF, s29;
	[tilespmem:v54+s22+$0x0] =	vst.idx.msk $0xffff, v41;
	s31 =	smov.u32 s30;
	s30 =	sadd.s32 $0x1, s30  }
0xac: {  	v41 =	vadd.s32 s0, v0;
	[tilespmem:v53+s22+$0x0] =	vst.idx.msk $0xffff, v56;
	v53 =	vor.u32 v31, v40  }
0xad: {  	s0 =	sand.u32 $0x30, s29;
	s29 =	smov.u32 s31;
	v54 =	vand.u32 $0xF, v41;
	v56 =	vshll.u32 v41, $0x7;
	[tilespmem:v52+s22+$0x0] =	vst.idx.msk $0xffff, v43;
	v43 =	vor.u32 v30, v40  }
0xae: {  	v52 =	vor.u32 s0, v54;
	[tilespmem:v51+s22+$0x0] =	vst.idx.msk $0xffff, v55;
	v51 =	vor.u32 v28, v40;
	v54 =	vor.u32 v29, v40  }
0xaf: {  	v41 =	vand.u32 $0x7, v41;
	v55 =	vand.u32 $0x38, v52;
	v52 =	vshll.u32 v52, $0x8;
	[tilespmem:v50+s22+$0x0] =	vst.idx.msk $0xffff, v57  }
0xb0: {  	v41 =	vor.u32 v41, v55;
	v50 =	vand.u32 $0x3800, v52;
	[tilespmem:v49+s22+$0x0] =	vst.idx.msk $0xffff, v39;
	v39 =	vor.u32 v27, v40  }
0xb1: {  	v55 =	vor.u32 v1, v41;
	v40 =	vor.u32 v2, v41;
	[tilespmem:v47+s22+$0x0] =	vst.idx.msk $0xffff, v44  }
0xb2: {  	v44 =	vor.u32 v4, v41;
	v57 =	vor.u32 v5, v41;
	[tilespmem:v45+s22+$0x0] =	vst.idx.msk $0xffff, v38  }
0xb3: {  	v58 =	vor.u32 v8, v41;
	v38 =	vor.u32 v7, v41;
	[tilespmem:v48+s22+$0x0] =	vst.idx.msk $0xffff, v35  }
0xb4: {  	v35 =	vor.u32 v10, v41;
	v48 =	vor.u32 v11, v41;
	[tilespmem:v46+s22+$0x0] =	vst.idx.msk $0xffff, v42  }
0xb5: {  	v45 =	vor.u32 v14, v41;
	v42 =	vor.u32 v13, v41;
	[tilespmem:v39+s22+$0x0] =	vst.idx.msk $0xffff, v36  }
0xb6: {  	v46 =	vor.u32 v15, v41;
	v36 =	vor.u32 v12, v41;
	[tilespmem:v51+s22+$0x0] =	vst.idx.msk $0xffff, v37  }
0xb7: {  	v59 =	vor.u32 v6, v41;
	v37 =	vor.u32 v9, v41;
	[tilespmem:v54+s22+$0x0] =	vst.idx.msk $0xffff, v32  }
0xb8: {  	v60 =	vor.u32 v3, v41;
	v47 =	vor.u32 v16, v41;
	[tilespmem:v43+s22+$0x0] =	vst.idx.msk $0xffff, v34  }
0xb9: {  	[tilespmem:v53+s22+$0x0] =	vst.idx.msk $0xffff, v33  }
0xba: {  	v32 =	vld.idx.msk [tilespmem:v45+s17+$0x0], $0xffff  }
0xbb: {  	v33 =	vand.u32 $0x380, v56;
	v41 =	vld.idx.msk [tilespmem:v40+s17+$0x0], $0xffff  }
0xbc: {  	v40 =	vor.u32 v33, v50;
	v39 =	vld.idx.msk [tilespmem:v38+s17+$0x0], $0xffff  }
0xbd: {  	v61 =	vor.u32 v0, v40;
	v35 =	vld.idx.msk [tilespmem:v35+s17+$0x0], $0xffff  }
0xbe: {  	v54 =	vor.u32 v17, v40;
	v33 =	vld.idx.msk [tilespmem:v47+s17+$0x0], $0xffff  }
0xbf: {  	v53 =	vor.u32 v18, v40;
	v38 =	vld.idx.msk [tilespmem:v37+s17+$0x0], $0xffff  }
0xc0: {  	v52 =	vor.u32 v19, v40;
	v43 =	vld.idx.msk [tilespmem:v44+s17+$0x0], $0xffff  }
0xc1: {  	v51 =	vor.u32 v20, v40;
	v36 =	vld.idx.msk [tilespmem:v36+s17+$0x0], $0xffff  }
0xc2: {  	v50 =	vor.u32 v21, v40;
	v34 =	vld.idx.msk [tilespmem:v46+s17+$0x0], $0xffff  }
0xc3: {  	v49 =	vor.u32 v22, v40;
	v37 =	vld.idx.msk [tilespmem:v42+s17+$0x0], $0xffff  }
0xc4: {  	v47 =	vor.u32 v23, v40;
	v62 =	vld.idx.msk [tilespmem:v55+s17+$0x0], $0xffff  }
0xc5: {  	v45 =	vor.u32 v24, v40;
	v56 =	vld.idx.msk [tilespmem:v60+s17+$0x0], $0xffff  }
.Ltmp1:
0xc6: {  	v44 =	vld.idx.msk [tilespmem:v58+s17+$0x0], $0xffff;
	(pc) =	sbr.rel @p0 .LBB2_5-.Ltmp1, $4  }
0xc7: {  	v55 =	vld.idx.msk [tilespmem:v57+s17+$0x0], $0xffff  }
0xc8: {  	v42 =	vld.idx.msk [tilespmem:v48+s17+$0x0], $0xffff;
	v48 =	vor.u32 v25, v40  }
0xc9: {  	v46 =	vor.u32 v26, v40;
	v57 =	vld.idx.msk [tilespmem:v59+s17+$0x0], $0xffff  }
0xca: {  	[tilespmem:v61+s22+$0x0] =	vst.idx.msk $0xffff, v62  }
0xcb: {  	_ =	sdelay $0x3  }
0xcc: {  	[tilespmem:v54+s22+$0x0] =	vst.idx.msk $0xffff, v41  }
0xcd: {  	[tilespmem:v53+s22+$0x0] =	vst.idx.msk $0xffff, v56  }
0xce: {  	[tilespmem:v52+s22+$0x0] =	vst.idx.msk $0xffff, v43  }
0xcf: {  	[tilespmem:v51+s22+$0x0] =	vst.idx.msk $0xffff, v55  }
0xd0: {  	s0 =	sand.u32 $0xF, s29;
	[tilespmem:v50+s22+$0x0] =	vst.idx.msk $0xffff, v57  }
0xd1: {  	v41 =	vadd.s32 s0, v0;
	v55 =	vor.u32 v27, v40;
	[tilespmem:v49+s22+$0x0] =	vst.idx.msk $0xffff, v39  }
0xd2: {  	s30 =	sand.u32 $0x30, s29;
	v56 =	vand.u32 $0xF, v41;
	v57 =	vor.u32 v28, v40;
	[tilespmem:v47+s22+$0x0] =	vst.idx.msk $0xffff, v44  }
0xd3: {  	v58 =	vor.u32 v29, v40;
	v43 =	vor.u32 s30, v56;
	[tilespmem:v45+s22+$0x0] =	vst.idx.msk $0xffff, v38  }
0xd4: {  	v59 =	vor.u32 v30, v40;
	v61 =	vand.u32 $0x7, v41;
	v60 =	vand.u32 $0x38, v43;
	[tilespmem:v48+s22+$0x0] =	vst.idx.msk $0xffff, v35  }
0xd5: {  	v62 =	vor.u32 v31, v40;
	v63 =	vor.u32 v61, v60;
	[tilespmem:v46+s22+$0x0] =	vst.idx.msk $0xffff, v42  }
0xd6: {  	v50 =	vor.u32 v14, v63;
	[tilespmem:v55+s22+$0x0] =	vst.idx.msk $0xffff, v36  }
0xd7: {  	v51 =	vor.u32 v2, v63;
	[tilespmem:v57+s22+$0x0] =	vst.idx.msk $0xffff, v37  }
0xd8: {  	v52 =	vor.u32 v7, v63;
	[tilespmem:v58+s22+$0x0] =	vst.idx.msk $0xffff, v32  }
0xd9: {  	v53 =	vor.u32 v10, v63;
	[tilespmem:v59+s22+$0x0] =	vst.idx.msk $0xffff, v34  }
0xda: {  	v54 =	vor.u32 v16, v63;
	[tilespmem:v62+s22+$0x0] =	vst.idx.msk $0xffff, v33  }
0xdb: {  	v55 =	vor.u32 v9, v63;
	v35 =	vld.idx.msk [tilespmem:v50+s17+$0x0], $0xffff  }
0xdc: {  	v56 =	vor.u32 v4, v63;
	v36 =	vld.idx.msk [tilespmem:v51+s17+$0x0], $0xffff  }
0xdd: {  	v45 =	vor.u32 v1, v63;
	v37 =	vld.idx.msk [tilespmem:v52+s17+$0x0], $0xffff  }
0xde: {  	v60 =	vor.u32 v3, v63;
	v32 =	vld.idx.msk [tilespmem:v53+s17+$0x0], $0xffff  }
0xdf: {  	v47 =	vor.u32 v8, v63;
	v34 =	vld.idx.msk [tilespmem:v54+s17+$0x0], $0xffff  }
0xe0: {  	v41 =	vshll.u32 v41, $0x7;
	v57 =	vor.u32 v12, v63;
	v33 =	vld.idx.msk [tilespmem:v55+s17+$0x0], $0xffff  }
0xe1: {  	v43 =	vshll.u32 v43, $0x8;
	v61 =	vor.u32 v5, v63;
	v58 =	vor.u32 v15, v63;
	v38 =	vld.idx.msk [tilespmem:v56+s17+$0x0], $0xffff  }
0xe2: {  	v40 =	vor.u32 v6, v63;
	v59 =	vor.u32 v13, v63;
	v62 =	vor.u32 v11, v63;
	v63 =	vld.idx.msk [tilespmem:v45+s17+$0x0], $0xffff  }
0xe3: {  	v41 =	vand.u32 $0x380, v41;
	v43 =	vand.u32 $0x3800, v43;
	v46 =	vld.idx.msk [tilespmem:v60+s17+$0x0], $0xffff  }
0xe4: {  	v41 =	vor.u32 v41, v43;
	v47 =	vld.idx.msk [tilespmem:v47+s17+$0x0], $0xffff  }
0xe5: {  	v39 =	vld.idx.msk [tilespmem:v57+s17+$0x0], $0xffff;
	v57 =	vor.u32 v0, v41  }
0xe6: {  	v42 =	vld.idx.msk [tilespmem:v58+s17+$0x0], $0xffff;
	v58 =	vor.u32 v17, v41  }
0xe7: {  	v44 =	vld.idx.msk [tilespmem:v59+s17+$0x0], $0xffff;
	v59 =	vor.u32 v18, v41  }
0xe8: {  	v48 =	vld.idx.msk [tilespmem:v61+s17+$0x0], $0xffff;
	v60 =	vor.u32 v19, v41  }
0xe9: {  	v61 =	vor.u32 v20, v41;
	v40 =	vld.idx.msk [tilespmem:v40+s17+$0x0], $0xffff  }
0xea: {  	v49 =	vld.idx.msk [tilespmem:v62+s17+$0x0], $0xffff;
	v62 =	vor.u32 v21, v41;
	[tilespmem:v57+s22+$0x0] =	vst.idx.msk $0xffff, v63  }
0xeb: {  	v63 =	vor.u32 v22, v41;
	[tilespmem:v58+s22+$0x0] =	vst.idx.msk $0xffff, v36  }
0xec: {  	v55 =	vor.u32 v23, v41;
	[tilespmem:v59+s22+$0x0] =	vst.idx.msk $0xffff, v46  }
0xed: {  	v56 =	vor.u32 v24, v41;
	[tilespmem:v60+s22+$0x0] =	vst.idx.msk $0xffff, v38  }
0xee: {  	v57 =	vor.u32 v25, v41;
	[tilespmem:v61+s22+$0x0] =	vst.idx.msk $0xffff, v48  }
0xef: {  	v58 =	vor.u32 v26, v41;
	[tilespmem:v62+s22+$0x0] =	vst.idx.msk $0xffff, v40  }
0xf0: {  	v59 =	vor.u32 v27, v41;
	[tilespmem:v63+s22+$0x0] =	vst.idx.msk $0xffff, v37  }
0xf1: {  	v60 =	vor.u32 v28, v41;
	[tilespmem:v55+s22+$0x0] =	vst.idx.msk $0xffff, v47  }
0xf2: {  	v61 =	vor.u32 v29, v41;
	[tilespmem:v56+s22+$0x0] =	vst.idx.msk $0xffff, v33  }
0xf3: {  	v62 =	vor.u32 v30, v41;
	[tilespmem:v57+s22+$0x0] =	vst.idx.msk $0xffff, v32  }
0xf4: {  	s26 =	sadd.s32 $0x1, s26;
	v63 =	vor.u32 v31, v41;
	[tilespmem:v58+s22+$0x0] =	vst.idx.msk $0xffff, v49  }
0xf5: {  	p0 =	sne.s32 s26, $0xC8;
	[tilespmem:v59+s22+$0x0] =	vst.idx.msk $0xffff, v39  }
.Ltmp2:
0xf6: {  	[tilespmem:v60+s22+$0x0] =	vst.idx.msk $0xffff, v44;
	(pc) =	sbr.rel @p0 .LBB2_2-.Ltmp2, $4  }
0xf7: {  	[tilespmem:v61+s22+$0x0] =	vst.idx.msk $0xffff, v35  }
0xf8: {  	[tilespmem:v62+s22+$0x0] =	vst.idx.msk $0xffff, v42  }
0xf9: {  	s31 =	sadd.s32 s28, s10;
	[tilespmem:v63+s22+$0x0] =	vst.idx.msk $0xffff, v34  }
0xfa: {  	[hbm4b:s31+s19] =	stream.strided.scatter [tilespmem:s22], [sflag:$0x6], $0x4000, s20, s19, $0x38;
	[tilespmem:$0x10200] =	vst v63  }
0xfb: {  	s25 =	sadd.s32 $0x1, s25  }
0xfc: {  	_ =	swait.ge [sflag:s23], $0x4000;
	p0 =	sne.s32 s25, s11  }
.Ltmp3:
0xfd: {  	[sflag:s23] =	ssyncset.done $0x0;
	(pc) =	sbr.rel @p0 .LBB2_1-.Ltmp3, $4  }
0xfe: {  	[sflag:s23] =	ssyncadd.s32 $0xFFFFC000  }
0xff: {  	_ =	swait.ge [sflag:s24], $0x4000  }
0x100: {  	[sflag:s24] =	ssyncset.done $0x0  }
0x101: {  	[sflag:s24] =	ssyncadd.s32 $0xFFFFC000  }
0x102: {  	_ =	sfence.sel $0x180000  }
0x103: {  	[bflag:$0x0] =	sbarrier.arrive $0xFFFF  }
0x104: {  	_ =	strace $0x90000047  }
0x105: {  	[bflag:$0x2] =	sbarrier.arrive $0xFFFF  }
0x106: {  	p0 =	sne.s32 s1, $0x0;
	s0 =	rddreg [dreg:$0x2]  }
0x107: {  	s0 =	sadd.s32 @!p0 $0x100000, s0  }
0x108: {  	[sflag:s0] =	ssyncadd.tile.s32 @!p0 $0x1;
	_ =	shalt  }
.Lfunc_end2:
_tile_overlayer_lowered:
.L_overlay_start_2:
0x109: {  	(tag) =	ssettag $0x2  }
0x10a: {  	s0 =	rddreg [dreg:$0x0];
	s2 =	stileid.u32  }
0x10b: {  	s1 =	rddreg [dreg:$0x1];
	p0 =	sne.s32 s2, $0x0  }
0x10c: {  	s3 =	rddreg [dreg:$0x2];
	[bflag:$0x3] =	sbarrier.arrive $0xFFFF;
	s2 =	simm.s32 @!p0 $0x1C07  }
0x10d: {  	[timem:s3], [sflag:s2] =	dma.local @!p0 [hbm:s0], s1  }
0x10e: {  	s0 =	simm.s32 @!p0 $0x7  }
0x10f: {  	_ =	swait.ge @!p0 [sflag:s0], s1  }
0x110: {  	s1 =	ssub.s32 @!p0 $0x0, s1;
	[sflag:s0] =	ssyncset.done @!p0 $0x0  }
0x111: {  	[sflag:s0] =	ssyncadd.s32 @!p0 s1  }
0x112: {  	[bflag:$0x3] =	sbarrier.arrive $0xFFFF  }
0x113: {  	_ =	shalt  }

</sc_bundles>
